<compile_context>
chip_gen: v7x
topology: tpu7x:2x2x1
jax: 0.10.2.dev20260603
libtpu: 0.0.44.dev20260713+nightly
codegen_flags: <defaults>
</compile_context>

<pallas_src>
import functools

import jax
import jax.numpy as jnp
from jax import lax
from jax.experimental import pallas as pl
from jax.experimental.pallas import tpu as pltpu
from jax.experimental.pallas import tpu_sc as plsc

_NC = 2
_NS = 16
_NW = _NC * _NS
_L = 16
_CH = 2048
_GW = 128
_NG = _CH // _GW


def _sc_body(bpw, k, zc_hbm, a_hbm, out_hbm, zbuf, idxbuf, gbuf, zsem, gsem, osem):
    wid = lax.axis_index("s") * _NC + lax.axis_index("c")
    base = wid * bpw
    kf = jnp.float32(k)
    kmax = jnp.int32(k - 1)
    nch = bpw // _CH

    def zcopy(ci, b):
        return pltpu.make_async_copy(
            zc_hbm.at[pl.ds(base + ci * _CH, _CH)],
            zbuf.at[pl.ds(b * _CH, _CH)],
            zsem,
        )

    def gdrain(b):
        return pltpu.make_async_copy(
            a_hbm.at[idxbuf.at[b, 0]], gbuf.at[b, pl.ds(0, _GW)], gsem
        )

    def odrain(b):
        return pltpu.make_async_copy(
            gbuf.at[b], out_hbm.at[pl.ds(base, _CH)], osem
        )

    zcopy(0, 0).start()

    def chunk_work(ci, b):
        cbase = base + ci * _CH
        zcopy(ci, b).wait()

        @pl.when(ci + 1 < nch)
        def _():
            zcopy(ci + 1, 1 - b).start()

        @pl.when(ci >= 2)
        def _():
            odrain(b).wait()

        def idx_step(g, _):
            for l in range(_GW // _L):
                r0 = g * _GW + l * _L
                zc = zbuf[pl.ds(b * _CH + r0, _L)]
                idx = jnp.clip((zc * kf).astype(jnp.int32), 0, kmax)
                flat = (cbase + r0 + lax.iota(jnp.int32, _L)) * k + idx
                idxbuf[b, g, pl.ds(l * _L, _L)] = flat
            pltpu.make_async_copy(
                a_hbm.at[idxbuf.at[b, g]], gbuf.at[b, pl.ds(g * _GW, _GW)], gsem
            ).start()
            return 0

        lax.fori_loop(0, _NG, idx_step, 0)

        def drain_step(g, _):
            gdrain(b).wait()
            return 0

        lax.fori_loop(0, _NG, drain_step, 0)

        def scale_step(g, _):
            for l in range(_GW // _L):
                o = g * _GW + l * _L
                gbuf[b, pl.ds(o, _L)] = gbuf[b, pl.ds(o, _L)] * 0.999
            return 0

        lax.fori_loop(0, _NG, scale_step, 0)
        pltpu.make_async_copy(
            gbuf.at[b], out_hbm.at[pl.ds(cbase, _CH)], osem
        ).start()

    def loop_body(i, _):
        chunk_work(2 * i, 0)
        chunk_work(2 * i + 1, 1)
        return 0

    lax.fori_loop(0, nch // 2, loop_body, 0)
    odrain(0).wait()
    odrain(1).wait()


def kernel(z, a):
    b, d = z.shape
    _, k = a.shape
    bpw = b // _NW
    assert b % (_NW * _CH * 2) == 0
    zc = z[:, 0]
    a_flat = a.reshape(-1)
    mesh = plsc.VectorSubcoreMesh(
        core_axis_name="c", subcore_axis_name="s", num_cores=_NC, num_subcores=_NS
    )
    fn = pl.kernel(
        functools.partial(_sc_body, bpw, k),
        out_type=jax.ShapeDtypeStruct((b,), jnp.float32),
        mesh=mesh,
        compiler_params=pltpu.CompilerParams(needs_layout_passes=False),
        scratch_types=[
            pltpu.VMEM((2 * _CH,), jnp.float32),
            pltpu.VMEM((2, _NG, _GW), jnp.int32),
            pltpu.VMEM((2, _CH), jnp.float32),
            pltpu.SemaphoreType.DMA,
            pltpu.SemaphoreType.DMA,
            pltpu.SemaphoreType.DMA,
        ],
    )
    return fn(zc, a_flat)

# --- scband reference (transcript-rebuilt; emitter-appended) ---
"""Pipeline reference for scband-fcnnvaluation-module-29953101922473 (READ-ONLY COPY).

The authoritative reference and input builder live on the scoring server;
editing this copy changes nothing except your own understanding.
"""

import jax, jax.numpy as jnp
import numpy as np

B = 1048576
D = 16
K = 32
ATTR_INDEX = 0  # config.group_tensor_index['color_counter'] stand-in


def setup_inputs(seed: int = 0) -> dict:
    key = jax.random.key(seed)
    k1, k2 = jax.random.split(key)
    z = jax.random.uniform(k1, (B, D), dtype=jnp.float32)
    a = jax.random.uniform(k2, (B, K), dtype=jnp.float32)
    return {"z": z, "a": a}


def reference(z, a):
    # Faithful jax translation of FCNNColorCounterValuationFunction.forward,
    # the core compute pattern dispatched by FCNNValuationModule:
    #   z_color_counter = torch.zeros(a.shape)
    #   tensor_index = z[:, attr_index].to(torch.long)
    #   for i in range(len(tensor_index)): z_color_counter[i, tensor_index[i]] = 0.999
    #   return (a * z_color_counter).sum(dim=1)
    # The python loop is vectorized as a per-row scatter-overwrite.
    n, k = a.shape
    # derive in-range integer attribute indices from the float attribute column
    idx = jnp.clip((jax.lax.stop_gradient(z[:, ATTR_INDEX]) * k).astype(jnp.int32), 0, k - 1)
    rows = jnp.arange(n, dtype=jnp.int32)
    z_color_counter = jnp.zeros_like(a).at[rows, idx].set(0.999)
    return (a * z_color_counter).sum(axis=1)

if __name__ == "__main__":
    import jax
    _d = setup_inputs()
    print(jax.jit(kernel)(*tuple(_d.values())))

</pallas_src>

<mosaic_0001>
#map = affine_map<(d0, d1) -> (0)>
module attributes {stable_mosaic.version = 14 : i64} {
  func.func @_sc_body(%arg0: i32, %arg1: i32, %arg2: memref<1048576xf32, #tpu.memory_space<hbm>>, %arg3: memref<33554432xf32, #tpu.memory_space<hbm>>, %arg4: memref<1048576xf32, #tpu.memory_space<hbm>>, %arg5: memref<4096xf32, #tpu.memory_space<vmem>>, %arg6: memref<2x16x128xi32, #tpu.memory_space<vmem>>, %arg7: memref<2x2048xf32, #tpu.memory_space<vmem>>, %arg8: memref<!tpu.dma_semaphore, #tpu.memory_space<semaphore_mem>>, %arg9: memref<!tpu.dma_semaphore, #tpu.memory_space<semaphore_mem>>, %arg10: memref<!tpu.dma_semaphore, #tpu.memory_space<semaphore_mem>>) attributes {dimension_semantics = [#tpu.dimension_semantics<core_parallel>, #tpu.dimension_semantics<subcore_parallel>], iteration_bounds = array<i64: 2, 16>, scalar_prefetch = 0 : i64, scratch_operands = 6 : i64, tpu.core_type = #tpu.core_type<sc_vector_subcore>, window_params = [{transform_indices = #map}, {transform_indices = #map}, {transform_indices = #map}]} {
    %mul3A = arith.constant 2 : i32
    %mul3A_0 = arith.muli %arg1, %mul3A : i32
    %add3A = arith.addi %mul3A_0, %arg0 : i32
    %mul3A_1 = arith.constant 32768 : i32
    %mul3A_2 = arith.muli %add3A, %mul3A_1 : i32
    %add3A_3 = arith.constant 0 : i32
    %add3A_4 = arith.addi %mul3A_2, %add3A_3 : i32
    %dma_start3A = arith.constant 0 : i32
    %dma_start3A_5 = tpu.memref_slice %arg5[%dma_start3A] : memref<4096xf32, #tpu.memory_space<vmem>> -> memref<2048xf32, #tpu.memory_space<vmem>>
    %dma_start3A_6 = tpu.memref_slice %arg2[%add3A_4] : memref<1048576xf32, #tpu.memory_space<hbm>> -> memref<2048xf32, #tpu.memory_space<hbm>>
    %dma_start3A_7 = arith.constant 0 : i32
    %dma_start3A_8 = tpu.memref_slice %arg5[%dma_start3A_7] : memref<4096xf32, #tpu.memory_space<vmem>> -> memref<2048xf32, #tpu.memory_space<vmem>>
    %dma_start3A_9 = tpu.memref_slice %arg2[%add3A_4] : memref<1048576xf32, #tpu.memory_space<hbm>> -> memref<2048xf32, #tpu.memory_space<hbm>>
    tpu.enqueue_dma source(%dma_start3A_9 : memref<2048xf32, #tpu.memory_space<hbm>>) target(%dma_start3A_8 : memref<2048xf32, #tpu.memory_space<vmem>>) target_semaphore(%arg8 : memref<!tpu.dma_semaphore, #tpu.memory_space<semaphore_mem>>)
    %scan3A = arith.constant 3.200000e+01 : f32
    %scan3A_10 = arith.constant 31 : i32
    %scan3A_11 = arith.constant 0 : i32
    %scan3A_12 = arith.constant 0 : i32
    %scan3A_13 = arith.constant 8 : i32
    %scan3A_14 = arith.addi %scan3A_12, %scan3A_13 : i32
    %scan3A_15 = arith.constant 1 : i32
    %scan3A_16 = scf.for %scan3A_35 = %scan3A_12 to %scan3A_14 step %scan3A_15 iter_args(%scan3A_36 = %scan3A_11) -> (i32)  : i32 {
      %mul3A_37 = arith.constant 2 : i32
      %mul3A_38 = arith.muli %mul3A_37, %scan3A_35 : i32
      %mul3A_39 = arith.constant 2048 : i32
      %mul3A_40 = arith.muli %mul3A_38, %mul3A_39 : i32
      %add3A_41 = arith.addi %mul3A_2, %mul3A_40 : i32
      %mul3A_42 = arith.constant 2048 : i32
      %mul3A_43 = arith.muli %mul3A_38, %mul3A_42 : i32
      %add3A_44 = arith.addi %mul3A_2, %mul3A_43 : i32
      %dma_wait3A_45 = arith.constant 0 : i32
      %dma_wait3A_46 = tpu.memref_slice %arg5[%dma_wait3A_45] : memref<4096xf32, #tpu.memory_space<vmem>> -> memref<2048xf32, #tpu.memory_space<vmem>>
      %dma_wait3A_47 = tpu.memref_slice %arg2[%add3A_44] : memref<1048576xf32, #tpu.memory_space<hbm>> -> memref<2048xf32, #tpu.memory_space<hbm>>
      %dma_wait3A_48 = arith.constant 0 : i32
      %dma_wait3A_49 = tpu.memref_slice %arg5[%dma_wait3A_48] : memref<4096xf32, #tpu.memory_space<vmem>> -> memref<2048xf32, #tpu.memory_space<vmem>>
      %dma_wait3A_50 = tpu.memref_slice %arg2[%add3A_44] : memref<1048576xf32, #tpu.memory_space<hbm>> -> memref<2048xf32, #tpu.memory_space<hbm>>
      tpu.wait_dma2 semaphore(%arg8 : memref<!tpu.dma_semaphore, #tpu.memory_space<semaphore_mem>>) src(%dma_wait3A_50 : memref<2048xf32, #tpu.memory_space<hbm>>) dst(%dma_wait3A_49 : memref<2048xf32, #tpu.memory_space<vmem>>)
      %add3A_51 = arith.constant 1 : i32
      %add3A_52 = arith.addi %mul3A_38, %add3A_51 : i32
      %lt3A = arith.constant 16 : i32
      %lt3A_53 = arith.cmpi slt, %add3A_52, %lt3A : i32
      %convert_element_type3A = arith.extui %lt3A_53 : i1 to i32
      %cond3A = arith.constant 0 : i32
      %cond3A_54 = arith.cmpi ne, %convert_element_type3A, %cond3A : i32
      scf.if %cond3A_54 {
        %add3A_148 = arith.constant 1 : i32
        %add3A_149 = arith.addi %mul3A_38, %add3A_148 : i32
        %mul3A_150 = arith.constant 2048 : i32
        %mul3A_151 = arith.muli %add3A_149, %mul3A_150 : i32
        %add3A_152 = arith.addi %mul3A_2, %mul3A_151 : i32
        %dma_start3A_153 = arith.constant 2048 : i32
        %dma_start3A_154 = tpu.memref_slice %arg5[%dma_start3A_153] : memref<4096xf32, #tpu.memory_space<vmem>> -> memref<2048xf32, #tpu.memory_space<vmem>>
        %dma_start3A_155 = tpu.memref_slice %arg2[%add3A_152] : memref<1048576xf32, #tpu.memory_space<hbm>> -> memref<2048xf32, #tpu.memory_space<hbm>>
        %dma_start3A_156 = arith.constant 2048 : i32
        %dma_start3A_157 = tpu.memref_slice %arg5[%dma_start3A_156] : memref<4096xf32, #tpu.memory_space<vmem>> -> memref<2048xf32, #tpu.memory_space<vmem>>
        %dma_start3A_158 = tpu.memref_slice %arg2[%add3A_152] : memref<1048576xf32, #tpu.memory_space<hbm>> -> memref<2048xf32, #tpu.memory_space<hbm>>
        tpu.enqueue_dma source(%dma_start3A_158 : memref<2048xf32, #tpu.memory_space<hbm>>) target(%dma_start3A_157 : memref<2048xf32, #tpu.memory_space<vmem>>) target_semaphore(%arg8 : memref<!tpu.dma_semaphore, #tpu.memory_space<semaphore_mem>>)
      } else {
      }
      %ge3A = arith.constant 2 : i32
      %ge3A_55 = arith.cmpi sge, %mul3A_38, %ge3A : i32
      %convert_element_type3A_56 = arith.extui %ge3A_55 : i1 to i32
      %cond3A_57 = arith.constant 0 : i32
      %cond3A_58 = arith.cmpi ne, %convert_element_type3A_56, %cond3A_57 : i32
      scf.if %cond3A_58 {
        %dma_wait3A_148 = arith.constant 0 : i32
        %dma_wait3A_149 = arith.constant 0 : i32
        %dma_wait3A_150 = tpu.memref_slice %arg7[%dma_wait3A_148, %dma_wait3A_149] : memref<2x2048xf32, #tpu.memory_space<vmem>> -> memref<1x2048xf32, #tpu.memory_space<vmem>>
        %dma_wait3A_151 = tpu.memref_squeeze %dma_wait3A_150 : memref<1x2048xf32, #tpu.memory_space<vmem>> -> memref<2048xf32, #tpu.memory_space<vmem>>
        %dma_wait3A_152 = tpu.memref_slice %arg4[%mul3A_2] : memref<1048576xf32, #tpu.memory_space<hbm>> -> memref<2048xf32, #tpu.memory_space<hbm>>
        %dma_wait3A_153 = tpu.memref_slice %arg4[%mul3A_2] : memref<1048576xf32, #tpu.memory_space<hbm>> -> memref<2048xf32, #tpu.memory_space<hbm>>
        %dma_wait3A_154 = arith.constant 0 : i32
        %dma_wait3A_155 = tpu.memref_slice %arg7[%dma_wait3A_148, %dma_wait3A_154] : memref<2x2048xf32, #tpu.memory_space<vmem>> -> memref<1x2048xf32, #tpu.memory_space<vmem>>
        %dma_wait3A_156 = tpu.memref_squeeze %dma_wait3A_155 : memref<1x2048xf32, #tpu.memory_space<vmem>> -> memref<2048xf32, #tpu.memory_space<vmem>>
        tpu.wait_dma2 semaphore(%arg10 : memref<!tpu.dma_semaphore, #tpu.memory_space<semaphore_mem>>) src(%dma_wait3A_156 : memref<2048xf32, #tpu.memory_space<vmem>>) dst(%dma_wait3A_153 : memref<2048xf32, #tpu.memory_space<hbm>>)
      } else {
      }
      %scan3A_59 = arith.constant 0 : i32
      %scan3A_60 = arith.constant 0 : i32
      %scan3A_61 = arith.constant 16 : i32
      %scan3A_62 = arith.addi %scan3A_60, %scan3A_61 : i32
      %scan3A_63 = arith.constant 1 : i32
      %scan3A_64 = scf.for %scan3A_148 = %scan3A_60 to %scan3A_62 step %scan3A_63 iter_args(%scan3A_149 = %scan3A_59) -> (i32)  : i32 {
        %mul3A_150 = arith.constant 128 : i32
        %mul3A_151 = arith.muli %scan3A_148, %mul3A_150 : i32
        %add3A_152 = arith.constant 0 : i32
        %add3A_153 = arith.addi %mul3A_151, %add3A_152 : i32
        %add3A_154 = arith.constant 0 : i32
        %add3A_155 = arith.addi %add3A_154, %add3A_153 : i32
        %get3A = arith.index_cast %add3A_155 : i32 to index
        %get3A_156 = tpu.vector_load %arg5[%get3A] {strides = array<i32>} : memref<4096xf32, #tpu.memory_space<vmem>>, vector<16xf32>,
        %mul3A_157 = vector.broadcast %scan3A : f32 to vector<16xf32>
        %mul3A_158 = arith.mulf %get3A_156, %mul3A_157 : vector<16xf32>
        %convert_element_type3A_159 = arith.fptosi %mul3A_158 : vector<16xf32> to vector<16xi32>
        %jit3A = arith.constant 0 : i32
        %max3A = vector.broadcast %jit3A : i32 to vector<16xi32>
        %max3A_160 = arith.maxsi %max3A, %convert_element_type3A_159 : vector<16xi32>
        %min3A = vector.broadcast %scan3A_10 : i32 to vector<16xi32>
        %min3A_161 = arith.minsi %min3A, %max3A_160 : vector<16xi32>
        %add3A_162 = arith.addi %add3A_41, %add3A_153 : i32
        %iota3A = tpu.iota {dimensions = array<i32: 0>} : vector<16xi32>
        %add3A_163 = vector.broadcast %add3A_162 : i32 to vector<16xi32>
        %add3A_164 = arith.addi %add3A_163, %iota3A : vector<16xi32>
        %mul3A_165 = arith.constant 32 : i32
        %mul3A_166 = vector.broadcast %mul3A_165 : i32 to vector<16xi32>
        %mul3A_167 = arith.muli %add3A_164, %mul3A_166 : vector<16xi32>
        %add3A_168 = arith.addi %mul3A_167, %min3A_161 : vector<16xi32>
        %swap3A = arith.constant 0 : i32
        %swap3A_169 = arith.index_cast %swap3A : i32 to index
        %swap3A_170 = arith.index_cast %scan3A_148 : i32 to index
        %swap3A_171 = arith.constant 0 : index
        %swap3A_172 = tpu.vector_load %arg6[%swap3A_169, %swap3A_170, %swap3A_171] {strides = array<i32>} : memref<2x16x128xi32, #tpu.memory_space<vmem>>, vector<16xi32>,
        tpu.vector_store %arg6[%swap3A_169, %swap3A_170, %swap3A_171], %add3A_168 {strides = array<i32>} : memref<2x16x128xi32, #tpu.memory_space<vmem>>, vector<16xi32>,
        %mul3A_173 = arith.constant 128 : i32
        %mul3A_174 = arith.muli %scan3A_148, %mul3A_173 : i32
        %add3A_175 = arith.constant 16 : i32
        %add3A_176 = arith.addi %mul3A_174, %add3A_175 : i32
        %add3A_177 = arith.constant 0 : i32
        %add3A_178 = arith.addi %add3A_177, %add3A_176 : i32
        %get3A_179 = arith.index_cast %add3A_178 : i32 to index
        %get3A_180 = tpu.vector_load %arg5[%get3A_179] {strides = array<i32>} : memref<4096xf32, #tpu.memory_space<vmem>>, vector<16xf32>,
        %mul3A_181 = vector.broadcast %scan3A : f32 to vector<16xf32>
        %mul3A_182 = arith.mulf %get3A_180, %mul3A_181 : vector<16xf32>
        %convert_element_type3A_183 = arith.fptosi %mul3A_182 : vector<16xf32> to vector<16xi32>
        %jit3A_184 = arith.constant 0 : i32
        %max3A_185 = vector.broadcast %jit3A_184 : i32 to vector<16xi32>
        %max3A_186 = arith.maxsi %max3A_185, %convert_element_type3A_183 : vector<16xi32>
        %min3A_187 = vector.broadcast %scan3A_10 : i32 to vector<16xi32>
        %min3A_188 = arith.minsi %min3A_187, %max3A_186 : vector<16xi32>
        %add3A_189 = arith.addi %add3A_41, %add3A_176 : i32
        %iota3A_190 = tpu.iota {dimensions = array<i32: 0>} : vector<16xi32>
        %add3A_191 = vector.broadcast %add3A_189 : i32 to vector<16xi32>
        %add3A_192 = arith.addi %add3A_191, %iota3A_190 : vector<16xi32>
        %mul3A_193 = arith.constant 32 : i32
        %mul3A_194 = vector.broadcast %mul3A_193 : i32 to vector<16xi32>
        %mul3A_195 = arith.muli %add3A_192, %mul3A_194 : vector<16xi32>
        %add3A_196 = arith.addi %mul3A_195, %min3A_188 : vector<16xi32>
        %swap3A_197 = arith.constant 0 : i32
        %swap3A_198 = arith.index_cast %swap3A_197 : i32 to index
        %swap3A_199 = arith.index_cast %scan3A_148 : i32 to index
        %swap3A_200 = arith.constant 16 : index
        %swap3A_201 = tpu.vector_load %arg6[%swap3A_198, %swap3A_199, %swap3A_200] {strides = array<i32>} : memref<2x16x128xi32, #tpu.memory_space<vmem>>, vector<16xi32>,
        tpu.vector_store %arg6[%swap3A_198, %swap3A_199, %swap3A_200], %add3A_196 {strides = array<i32>} : memref<2x16x128xi32, #tpu.memory_space<vmem>>, vector<16xi32>,
        %mul3A_202 = arith.constant 128 : i32
        %mul3A_203 = arith.muli %scan3A_148, %mul3A_202 : i32
        %add3A_204 = arith.constant 32 : i32
        %add3A_205 = arith.addi %mul3A_203, %add3A_204 : i32
        %add3A_206 = arith.constant 0 : i32
        %add3A_207 = arith.addi %add3A_206, %add3A_205 : i32
        %get3A_208 = arith.index_cast %add3A_207 : i32 to index
        %get3A_209 = tpu.vector_load %arg5[%get3A_208] {strides = array<i32>} : memref<4096xf32, #tpu.memory_space<vmem>>, vector<16xf32>,
        %mul3A_210 = vector.broadcast %scan3A : f32 to vector<16xf32>
        %mul3A_211 = arith.mulf %get3A_209, %mul3A_210 : vector<16xf32>
        %convert_element_type3A_212 = arith.fptosi %mul3A_211 : vector<16xf32> to vector<16xi32>
        %jit3A_213 = arith.constant 0 : i32
        %max3A_214 = vector.broadcast %jit3A_213 : i32 to vector<16xi32>
        %max3A_215 = arith.maxsi %max3A_214, %convert_element_type3A_212 : vector<16xi32>
        %min3A_216 = vector.broadcast %scan3A_10 : i32 to vector<16xi32>
        %min3A_217 = arith.minsi %min3A_216, %max3A_215 : vector<16xi32>
        %add3A_218 = arith.addi %add3A_41, %add3A_205 : i32
        %iota3A_219 = tpu.iota {dimensions = array<i32: 0>} : vector<16xi32>
        %add3A_220 = vector.broadcast %add3A_218 : i32 to vector<16xi32>
        %add3A_221 = arith.addi %add3A_220, %iota3A_219 : vector<16xi32>
        %mul3A_222 = arith.constant 32 : i32
        %mul3A_223 = vector.broadcast %mul3A_222 : i32 to vector<16xi32>
        %mul3A_224 = arith.muli %add3A_221, %mul3A_223 : vector<16xi32>
        %add3A_225 = arith.addi %mul3A_224, %min3A_217 : vector<16xi32>
        %swap3A_226 = arith.constant 0 : i32
        %swap3A_227 = arith.index_cast %swap3A_226 : i32 to index
        %swap3A_228 = arith.index_cast %scan3A_148 : i32 to index
        %swap3A_229 = arith.constant 32 : index
        %swap3A_230 = tpu.vector_load %arg6[%swap3A_227, %swap3A_228, %swap3A_229] {strides = array<i32>} : memref<2x16x128xi32, #tpu.memory_space<vmem>>, vector<16xi32>,
        tpu.vector_store %arg6[%swap3A_227, %swap3A_228, %swap3A_229], %add3A_225 {strides = array<i32>} : memref<2x16x128xi32, #tpu.memory_space<vmem>>, vector<16xi32>,
        %mul3A_231 = arith.constant 128 : i32
        %mul3A_232 = arith.muli %scan3A_148, %mul3A_231 : i32
        %add3A_233 = arith.constant 48 : i32
        %add3A_234 = arith.addi %mul3A_232, %add3A_233 : i32
        %add3A_235 = arith.constant 0 : i32
        %add3A_236 = arith.addi %add3A_235, %add3A_234 : i32
        %get3A_237 = arith.index_cast %add3A_236 : i32 to index
        %get3A_238 = tpu.vector_load %arg5[%get3A_237] {strides = array<i32>} : memref<4096xf32, #tpu.memory_space<vmem>>, vector<16xf32>,
        %mul3A_239 = vector.broadcast %scan3A : f32 to vector<16xf32>
        %mul3A_240 = arith.mulf %get3A_238, %mul3A_239 : vector<16xf32>
        %convert_element_type3A_241 = arith.fptosi %mul3A_240 : vector<16xf32> to vector<16xi32>
        %jit3A_242 = arith.constant 0 : i32
        %max3A_243 = vector.broadcast %jit3A_242 : i32 to vector<16xi32>
        %max3A_244 = arith.maxsi %max3A_243, %convert_element_type3A_241 : vector<16xi32>
        %min3A_245 = vector.broadcast %scan3A_10 : i32 to vector<16xi32>
        %min3A_246 = arith.minsi %min3A_245, %max3A_244 : vector<16xi32>
        %add3A_247 = arith.addi %add3A_41, %add3A_234 : i32
        %iota3A_248 = tpu.iota {dimensions = array<i32: 0>} : vector<16xi32>
        %add3A_249 = vector.broadcast %add3A_247 : i32 to vector<16xi32>
        %add3A_250 = arith.addi %add3A_249, %iota3A_248 : vector<16xi32>
        %mul3A_251 = arith.constant 32 : i32
        %mul3A_252 = vector.broadcast %mul3A_251 : i32 to vector<16xi32>
        %mul3A_253 = arith.muli %add3A_250, %mul3A_252 : vector<16xi32>
        %add3A_254 = arith.addi %mul3A_253, %min3A_246 : vector<16xi32>
        %swap3A_255 = arith.constant 0 : i32
        %swap3A_256 = arith.index_cast %swap3A_255 : i32 to index
        %swap3A_257 = arith.index_cast %scan3A_148 : i32 to index
        %swap3A_258 = arith.constant 48 : index
        %swap3A_259 = tpu.vector_load %arg6[%swap3A_256, %swap3A_257, %swap3A_258] {strides = array<i32>} : memref<2x16x128xi32, #tpu.memory_space<vmem>>, vector<16xi32>,
        tpu.vector_store %arg6[%swap3A_256, %swap3A_257, %swap3A_258], %add3A_254 {strides = array<i32>} : memref<2x16x128xi32, #tpu.memory_space<vmem>>, vector<16xi32>,
        %mul3A_260 = arith.constant 128 : i32
        %mul3A_261 = arith.muli %scan3A_148, %mul3A_260 : i32
        %add3A_262 = arith.constant 64 : i32
        %add3A_263 = arith.addi %mul3A_261, %add3A_262 : i32
        %add3A_264 = arith.constant 0 : i32
        %add3A_265 = arith.addi %add3A_264, %add3A_263 : i32
        %get3A_266 = arith.index_cast %add3A_265 : i32 to index
        %get3A_267 = tpu.vector_load %arg5[%get3A_266] {strides = array<i32>} : memref<4096xf32, #tpu.memory_space<vmem>>, vector<16xf32>,
        %mul3A_268 = vector.broadcast %scan3A : f32 to vector<16xf32>
        %mul3A_269 = arith.mulf %get3A_267, %mul3A_268 : vector<16xf32>
        %convert_element_type3A_270 = arith.fptosi %mul3A_269 : vector<16xf32> to vector<16xi32>
        %jit3A_271 = arith.constant 0 : i32
        %max3A_272 = vector.broadcast %jit3A_271 : i32 to vector<16xi32>
        %max3A_273 = arith.maxsi %max3A_272, %convert_element_type3A_270 : vector<16xi32>
        %min3A_274 = vector.broadcast %scan3A_10 : i32 to vector<16xi32>
        %min3A_275 = arith.minsi %min3A_274, %max3A_273 : vector<16xi32>
        %add3A_276 = arith.addi %add3A_41, %add3A_263 : i32
        %iota3A_277 = tpu.iota {dimensions = array<i32: 0>} : vector<16xi32>
        %add3A_278 = vector.broadcast %add3A_276 : i32 to vector<16xi32>
        %add3A_279 = arith.addi %add3A_278, %iota3A_277 : vector<16xi32>
        %mul3A_280 = arith.constant 32 : i32
        %mul3A_281 = vector.broadcast %mul3A_280 : i32 to vector<16xi32>
        %mul3A_282 = arith.muli %add3A_279, %mul3A_281 : vector<16xi32>
        %add3A_283 = arith.addi %mul3A_282, %min3A_275 : vector<16xi32>
        %swap3A_284 = arith.constant 0 : i32
        %swap3A_285 = arith.index_cast %swap3A_284 : i32 to index
        %swap3A_286 = arith.index_cast %scan3A_148 : i32 to index
        %swap3A_287 = arith.constant 64 : index
        %swap3A_288 = tpu.vector_load %arg6[%swap3A_285, %swap3A_286, %swap3A_287] {strides = array<i32>} : memref<2x16x128xi32, #tpu.memory_space<vmem>>, vector<16xi32>,
        tpu.vector_store %arg6[%swap3A_285, %swap3A_286, %swap3A_287], %add3A_283 {strides = array<i32>} : memref<2x16x128xi32, #tpu.memory_space<vmem>>, vector<16xi32>,
        %mul3A_289 = arith.constant 128 : i32
        %mul3A_290 = arith.muli %scan3A_148, %mul3A_289 : i32
        %add3A_291 = arith.constant 80 : i32
        %add3A_292 = arith.addi %mul3A_290, %add3A_291 : i32
        %add3A_293 = arith.constant 0 : i32
        %add3A_294 = arith.addi %add3A_293, %add3A_292 : i32
        %get3A_295 = arith.index_cast %add3A_294 : i32 to index
        %get3A_296 = tpu.vector_load %arg5[%get3A_295] {strides = array<i32>} : memref<4096xf32, #tpu.memory_space<vmem>>, vector<16xf32>,
        %mul3A_297 = vector.broadcast %scan3A : f32 to vector<16xf32>
        %mul3A_298 = arith.mulf %get3A_296, %mul3A_297 : vector<16xf32>
        %convert_element_type3A_299 = arith.fptosi %mul3A_298 : vector<16xf32> to vector<16xi32>
        %jit3A_300 = arith.constant 0 : i32
        %max3A_301 = vector.broadcast %jit3A_300 : i32 to vector<16xi32>
        %max3A_302 = arith.maxsi %max3A_301, %convert_element_type3A_299 : vector<16xi32>
        %min3A_303 = vector.broadcast %scan3A_10 : i32 to vector<16xi32>
        %min3A_304 = arith.minsi %min3A_303, %max3A_302 : vector<16xi32>
        %add3A_305 = arith.addi %add3A_41, %add3A_292 : i32
        %iota3A_306 = tpu.iota {dimensions = array<i32: 0>} : vector<16xi32>
        %add3A_307 = vector.broadcast %add3A_305 : i32 to vector<16xi32>
        %add3A_308 = arith.addi %add3A_307, %iota3A_306 : vector<16xi32>
        %mul3A_309 = arith.constant 32 : i32
        %mul3A_310 = vector.broadcast %mul3A_309 : i32 to vector<16xi32>
        %mul3A_311 = arith.muli %add3A_308, %mul3A_310 : vector<16xi32>
        %add3A_312 = arith.addi %mul3A_311, %min3A_304 : vector<16xi32>
        %swap3A_313 = arith.constant 0 : i32
        %swap3A_314 = arith.index_cast %swap3A_313 : i32 to index
        %swap3A_315 = arith.index_cast %scan3A_148 : i32 to index
        %swap3A_316 = arith.constant 80 : index
        %swap3A_317 = tpu.vector_load %arg6[%swap3A_314, %swap3A_315, %swap3A_316] {strides = array<i32>} : memref<2x16x128xi32, #tpu.memory_space<vmem>>, vector<16xi32>,
        tpu.vector_store %arg6[%swap3A_314, %swap3A_315, %swap3A_316], %add3A_312 {strides = array<i32>} : memref<2x16x128xi32, #tpu.memory_space<vmem>>, vector<16xi32>,
        %mul3A_318 = arith.constant 128 : i32
        %mul3A_319 = arith.muli %scan3A_148, %mul3A_318 : i32
        %add3A_320 = arith.constant 96 : i32
        %add3A_321 = arith.addi %mul3A_319, %add3A_320 : i32
        %add3A_322 = arith.constant 0 : i32
        %add3A_323 = arith.addi %add3A_322, %add3A_321 : i32
        %get3A_324 = arith.index_cast %add3A_323 : i32 to index
        %get3A_325 = tpu.vector_load %arg5[%get3A_324] {strides = array<i32>} : memref<4096xf32, #tpu.memory_space<vmem>>, vector<16xf32>,
        %mul3A_326 = vector.broadcast %scan3A : f32 to vector<16xf32>
        %mul3A_327 = arith.mulf %get3A_325, %mul3A_326 : vector<16xf32>
        %convert_element_type3A_328 = arith.fptosi %mul3A_327 : vector<16xf32> to vector<16xi32>
        %jit3A_329 = arith.constant 0 : i32
        %max3A_330 = vector.broadcast %jit3A_329 : i32 to vector<16xi32>
        %max3A_331 = arith.maxsi %max3A_330, %convert_element_type3A_328 : vector<16xi32>
        %min3A_332 = vector.broadcast %scan3A_10 : i32 to vector<16xi32>
        %min3A_333 = arith.minsi %min3A_332, %max3A_331 : vector<16xi32>
        %add3A_334 = arith.addi %add3A_41, %add3A_321 : i32
        %iota3A_335 = tpu.iota {dimensions = array<i32: 0>} : vector<16xi32>
        %add3A_336 = vector.broadcast %add3A_334 : i32 to vector<16xi32>
        %add3A_337 = arith.addi %add3A_336, %iota3A_335 : vector<16xi32>
        %mul3A_338 = arith.constant 32 : i32
        %mul3A_339 = vector.broadcast %mul3A_338 : i32 to vector<16xi32>
        %mul3A_340 = arith.muli %add3A_337, %mul3A_339 : vector<16xi32>
        %add3A_341 = arith.addi %mul3A_340, %min3A_333 : vector<16xi32>
        %swap3A_342 = arith.constant 0 : i32
        %swap3A_343 = arith.index_cast %swap3A_342 : i32 to index
        %swap3A_344 = arith.index_cast %scan3A_148 : i32 to index
        %swap3A_345 = arith.constant 96 : index
        %swap3A_346 = tpu.vector_load %arg6[%swap3A_343, %swap3A_344, %swap3A_345] {strides = array<i32>} : memref<2x16x128xi32, #tpu.memory_space<vmem>>, vector<16xi32>,
        tpu.vector_store %arg6[%swap3A_343, %swap3A_344, %swap3A_345], %add3A_341 {strides = array<i32>} : memref<2x16x128xi32, #tpu.memory_space<vmem>>, vector<16xi32>,
        %mul3A_347 = arith.constant 128 : i32
        %mul3A_348 = arith.muli %scan3A_148, %mul3A_347 : i32
        %add3A_349 = arith.constant 112 : i32
        %add3A_350 = arith.addi %mul3A_348, %add3A_349 : i32
        %add3A_351 = arith.constant 0 : i32
        %add3A_352 = arith.addi %add3A_351, %add3A_350 : i32
        %get3A_353 = arith.index_cast %add3A_352 : i32 to index
        %get3A_354 = tpu.vector_load %arg5[%get3A_353] {strides = array<i32>} : memref<4096xf32, #tpu.memory_space<vmem>>, vector<16xf32>,
        %mul3A_355 = vector.broadcast %scan3A : f32 to vector<16xf32>
        %mul3A_356 = arith.mulf %get3A_354, %mul3A_355 : vector<16xf32>
        %convert_element_type3A_357 = arith.fptosi %mul3A_356 : vector<16xf32> to vector<16xi32>
        %jit3A_358 = arith.constant 0 : i32
        %max3A_359 = vector.broadcast %jit3A_358 : i32 to vector<16xi32>
        %max3A_360 = arith.maxsi %max3A_359, %convert_element_type3A_357 : vector<16xi32>
        %min3A_361 = vector.broadcast %scan3A_10 : i32 to vector<16xi32>
        %min3A_362 = arith.minsi %min3A_361, %max3A_360 : vector<16xi32>
        %add3A_363 = arith.addi %add3A_41, %add3A_350 : i32
        %iota3A_364 = tpu.iota {dimensions = array<i32: 0>} : vector<16xi32>
        %add3A_365 = vector.broadcast %add3A_363 : i32 to vector<16xi32>
        %add3A_366 = arith.addi %add3A_365, %iota3A_364 : vector<16xi32>
        %mul3A_367 = arith.constant 32 : i32
        %mul3A_368 = vector.broadcast %mul3A_367 : i32 to vector<16xi32>
        %mul3A_369 = arith.muli %add3A_366, %mul3A_368 : vector<16xi32>
        %add3A_370 = arith.addi %mul3A_369, %min3A_362 : vector<16xi32>
        %swap3A_371 = arith.constant 0 : i32
        %swap3A_372 = arith.index_cast %swap3A_371 : i32 to index
        %swap3A_373 = arith.index_cast %scan3A_148 : i32 to index
        %swap3A_374 = arith.constant 112 : index
        %swap3A_375 = tpu.vector_load %arg6[%swap3A_372, %swap3A_373, %swap3A_374] {strides = array<i32>} : memref<2x16x128xi32, #tpu.memory_space<vmem>>, vector<16xi32>,
        tpu.vector_store %arg6[%swap3A_372, %swap3A_373, %swap3A_374], %add3A_370 {strides = array<i32>} : memref<2x16x128xi32, #tpu.memory_space<vmem>>, vector<16xi32>,
        %mul3A_376 = arith.constant 128 : i32
        %mul3A_377 = arith.muli %scan3A_148, %mul3A_376 : i32
        %dma_start3A_378 = arith.constant 0 : i32
        %dma_start3A_379 = arith.constant 0 : i32
        %dma_start3A_380 = tpu.memref_slice %arg7[%dma_start3A_379, %mul3A_377] : memref<2x2048xf32, #tpu.memory_space<vmem>> -> memref<1x128xf32, #tpu.memory_space<vmem>>
        %dma_start3A_381 = tpu.memref_squeeze %dma_start3A_380 : memref<1x128xf32, #tpu.memory_space<vmem>> -> memref<128xf32, #tpu.memory_space<vmem>>
        %dma_start3A_382 = arith.constant 0 : i32
        %dma_start3A_383 = tpu.memref_slice %arg6[%dma_start3A_378, %scan3A_148, %dma_start3A_382] : memref<2x16x128xi32, #tpu.memory_space<vmem>> -> memref<1x1x128xi32, #tpu.memory_space<vmem>>
        %dma_start3A_384 = tpu.memref_squeeze %dma_start3A_383 : memref<1x1x128xi32, #tpu.memory_space<vmem>> -> memref<128xi32, #tpu.memory_space<vmem>>
        %dma_start3A_385 = arith.constant 0 : i32
        %dma_start3A_386 = tpu.memref_slice %arg3[%dma_start3A_385] : memref<33554432xf32, #tpu.memory_space<hbm>> -> memref<33554432xf32, #tpu.memory_space<hbm>>
        tpu.enqueue_indirect_dma source(%dma_start3A_386 : memref<33554432xf32, #tpu.memory_space<hbm>>) target(%dma_start3A_381 : memref<128xf32, #tpu.memory_space<vmem>>) offsets(%dma_start3A_384 : memref<128xi32, #tpu.memory_space<vmem>>) semaphore(%arg9 : memref<!tpu.dma_semaphore, #tpu.memory_space<semaphore_mem>>)
        %scan3A_387 = arith.constant 0 : i32
        scf.yield %scan3A_387 : i32
      }
      %scan3A_65 = arith.constant 16 : i32
      %scan3A_66 = arith.constant 0 : i32
      %scan3A_67 = arith.constant 0 : i32
      %scan3A_68 = arith.constant 16 : i32
      %scan3A_69 = arith.addi %scan3A_67, %scan3A_68 : i32
      %scan3A_70 = arith.constant 1 : i32
      %scan3A_71 = scf.for %scan3A_148 = %scan3A_67 to %scan3A_69 step %scan3A_70 iter_args(%scan3A_149 = %scan3A_66) -> (i32)  : i32 {
        %dma_wait3A_150 = arith.constant 0 : i32
        %dma_wait3A_151 = arith.constant 0 : i32
        %dma_wait3A_152 = arith.constant 0 : i32
        %dma_wait3A_153 = arith.constant 0 : i32
        %dma_wait3A_154 = tpu.memref_slice %arg7[%dma_wait3A_152, %dma_wait3A_153] : memref<2x2048xf32, #tpu.memory_space<vmem>> -> memref<1x128xf32, #tpu.memory_space<vmem>>
        %dma_wait3A_155 = tpu.memref_squeeze %dma_wait3A_154 : memref<1x128xf32, #tpu.memory_space<vmem>> -> memref<128xf32, #tpu.memory_space<vmem>>
        %dma_wait3A_156 = arith.constant 0 : i32
        %dma_wait3A_157 = tpu.memref_slice %arg6[%dma_wait3A_150, %dma_wait3A_151, %dma_wait3A_156] : memref<2x16x128xi32, #tpu.memory_space<vmem>> -> memref<1x1x128xi32, #tpu.memory_space<vmem>>
        %dma_wait3A_158 = tpu.memref_squeeze %dma_wait3A_157 : memref<1x1x128xi32, #tpu.memory_space<vmem>> -> memref<128xi32, #tpu.memory_space<vmem>>
        %dma_wait3A_159 = arith.constant 0 : i32
        %dma_wait3A_160 = tpu.memref_slice %arg3[%dma_wait3A_159] : memref<33554432xf32, #tpu.memory_space<hbm>> -> memref<33554432xf32, #tpu.memory_space<hbm>>
        tpu.wait_indirect_dma semaphore(%arg9 : memref<!tpu.dma_semaphore, #tpu.memory_space<semaphore_mem>>) src(%dma_wait3A_160 : memref<33554432xf32, #tpu.memory_space<hbm>>) dst(%dma_wait3A_155 : memref<128xf32, #tpu.memory_space<vmem>>)
        %scan3A_161 = arith.constant 0 : i32
        scf.yield %scan3A_161 : i32
      }
      %scan3A_72 = arith.constant 16 : i32
      %scan3A_73 = arith.constant 0 : i32
      %scan3A_74 = arith.constant 0 : i32
      %scan3A_75 = arith.constant 16 : i32
      %scan3A_76 = arith.addi %scan3A_74, %scan3A_75 : i32
      %scan3A_77 = arith.constant 1 : i32
      %scan3A_78 = scf.for %scan3A_148 = %scan3A_74 to %scan3A_76 step %scan3A_77 iter_args(%scan3A_149 = %scan3A_73) -> (i32)  : i32 {
        %mul3A_150 = arith.constant 128 : i32
        %mul3A_151 = arith.muli %scan3A_148, %mul3A_150 : i32
        %add3A_152 = arith.constant 0 : i32
        %add3A_153 = arith.addi %mul3A_151, %add3A_152 : i32
        %get3A = arith.constant 0 : i32
        %get3A_154 = arith.index_cast %get3A : i32 to index
        %get3A_155 = arith.index_cast %add3A_153 : i32 to index
        %get3A_156 = tpu.vector_load %arg7[%get3A_154, %get3A_155] {strides = array<i32>} : memref<2x2048xf32, #tpu.memory_space<vmem>>, vector<16xf32>,
        %mul3A_157 = arith.constant 9.990000e-01 : f32
        %mul3A_158 = vector.broadcast %mul3A_157 : f32 to vector<16xf32>
        %mul3A_159 = arith.mulf %get3A_156, %mul3A_158 : vector<16xf32>
        %swap3A = arith.constant 0 : i32
        %swap3A_160 = arith.index_cast %swap3A : i32 to index
        %swap3A_161 = arith.index_cast %add3A_153 : i32 to index
        %swap3A_162 = tpu.vector_load %arg7[%swap3A_160, %swap3A_161] {strides = array<i32>} : memref<2x2048xf32, #tpu.memory_space<vmem>>, vector<16xf32>,
        tpu.vector_store %arg7[%swap3A_160, %swap3A_161], %mul3A_159 {strides = array<i32>} : memref<2x2048xf32, #tpu.memory_space<vmem>>, vector<16xf32>,
        %mul3A_163 = arith.constant 128 : i32
        %mul3A_164 = arith.muli %scan3A_148, %mul3A_163 : i32
        %add3A_165 = arith.constant 16 : i32
        %add3A_166 = arith.addi %mul3A_164, %add3A_165 : i32
        %get3A_167 = arith.constant 0 : i32
        %get3A_168 = arith.index_cast %get3A_167 : i32 to index
        %get3A_169 = arith.index_cast %add3A_166 : i32 to index
        %get3A_170 = tpu.vector_load %arg7[%get3A_168, %get3A_169] {strides = array<i32>} : memref<2x2048xf32, #tpu.memory_space<vmem>>, vector<16xf32>,
        %mul3A_171 = arith.constant 9.990000e-01 : f32
        %mul3A_172 = vector.broadcast %mul3A_171 : f32 to vector<16xf32>
        %mul3A_173 = arith.mulf %get3A_170, %mul3A_172 : vector<16xf32>
        %swap3A_174 = arith.constant 0 : i32
        %swap3A_175 = arith.index_cast %swap3A_174 : i32 to index
        %swap3A_176 = arith.index_cast %add3A_166 : i32 to index
        %swap3A_177 = tpu.vector_load %arg7[%swap3A_175, %swap3A_176] {strides = array<i32>} : memref<2x2048xf32, #tpu.memory_space<vmem>>, vector<16xf32>,
        tpu.vector_store %arg7[%swap3A_175, %swap3A_176], %mul3A_173 {strides = array<i32>} : memref<2x2048xf32, #tpu.memory_space<vmem>>, vector<16xf32>,
        %mul3A_178 = arith.constant 128 : i32
        %mul3A_179 = arith.muli %scan3A_148, %mul3A_178 : i32
        %add3A_180 = arith.constant 32 : i32
        %add3A_181 = arith.addi %mul3A_179, %add3A_180 : i32
        %get3A_182 = arith.constant 0 : i32
        %get3A_183 = arith.index_cast %get3A_182 : i32 to index
        %get3A_184 = arith.index_cast %add3A_181 : i32 to index
        %get3A_185 = tpu.vector_load %arg7[%get3A_183, %get3A_184] {strides = array<i32>} : memref<2x2048xf32, #tpu.memory_space<vmem>>, vector<16xf32>,
        %mul3A_186 = arith.constant 9.990000e-01 : f32
        %mul3A_187 = vector.broadcast %mul3A_186 : f32 to vector<16xf32>
        %mul3A_188 = arith.mulf %get3A_185, %mul3A_187 : vector<16xf32>
        %swap3A_189 = arith.constant 0 : i32
        %swap3A_190 = arith.index_cast %swap3A_189 : i32 to index
        %swap3A_191 = arith.index_cast %add3A_181 : i32 to index
        %swap3A_192 = tpu.vector_load %arg7[%swap3A_190, %swap3A_191] {strides = array<i32>} : memref<2x2048xf32, #tpu.memory_space<vmem>>, vector<16xf32>,
        tpu.vector_store %arg7[%swap3A_190, %swap3A_191], %mul3A_188 {strides = array<i32>} : memref<2x2048xf32, #tpu.memory_space<vmem>>, vector<16xf32>,
        %mul3A_193 = arith.constant 128 : i32
        %mul3A_194 = arith.muli %scan3A_148, %mul3A_193 : i32
        %add3A_195 = arith.constant 48 : i32
        %add3A_196 = arith.addi %mul3A_194, %add3A_195 : i32
        %get3A_197 = arith.constant 0 : i32
        %get3A_198 = arith.index_cast %get3A_197 : i32 to index
        %get3A_199 = arith.index_cast %add3A_196 : i32 to index
        %get3A_200 = tpu.vector_load %arg7[%get3A_198, %get3A_199] {strides = array<i32>} : memref<2x2048xf32, #tpu.memory_space<vmem>>, vector<16xf32>,
        %mul3A_201 = arith.constant 9.990000e-01 : f32
        %mul3A_202 = vector.broadcast %mul3A_201 : f32 to vector<16xf32>
        %mul3A_203 = arith.mulf %get3A_200, %mul3A_202 : vector<16xf32>
        %swap3A_204 = arith.constant 0 : i32
        %swap3A_205 = arith.index_cast %swap3A_204 : i32 to index
        %swap3A_206 = arith.index_cast %add3A_196 : i32 to index
        %swap3A_207 = tpu.vector_load %arg7[%swap3A_205, %swap3A_206] {strides = array<i32>} : memref<2x2048xf32, #tpu.memory_space<vmem>>, vector<16xf32>,
        tpu.vector_store %arg7[%swap3A_205, %swap3A_206], %mul3A_203 {strides = array<i32>} : memref<2x2048xf32, #tpu.memory_space<vmem>>, vector<16xf32>,
        %mul3A_208 = arith.constant 128 : i32
        %mul3A_209 = arith.muli %scan3A_148, %mul3A_208 : i32
        %add3A_210 = arith.constant 64 : i32
        %add3A_211 = arith.addi %mul3A_209, %add3A_210 : i32
        %get3A_212 = arith.constant 0 : i32
        %get3A_213 = arith.index_cast %get3A_212 : i32 to index
        %get3A_214 = arith.index_cast %add3A_211 : i32 to index
        %get3A_215 = tpu.vector_load %arg7[%get3A_213, %get3A_214] {strides = array<i32>} : memref<2x2048xf32, #tpu.memory_space<vmem>>, vector<16xf32>,
        %mul3A_216 = arith.constant 9.990000e-01 : f32
        %mul3A_217 = vector.broadcast %mul3A_216 : f32 to vector<16xf32>
        %mul3A_218 = arith.mulf %get3A_215, %mul3A_217 : vector<16xf32>
        %swap3A_219 = arith.constant 0 : i32
        %swap3A_220 = arith.index_cast %swap3A_219 : i32 to index
        %swap3A_221 = arith.index_cast %add3A_211 : i32 to index
        %swap3A_222 = tpu.vector_load %arg7[%swap3A_220, %swap3A_221] {strides = array<i32>} : memref<2x2048xf32, #tpu.memory_space<vmem>>, vector<16xf32>,
        tpu.vector_store %arg7[%swap3A_220, %swap3A_221], %mul3A_218 {strides = array<i32>} : memref<2x2048xf32, #tpu.memory_space<vmem>>, vector<16xf32>,
        %mul3A_223 = arith.constant 128 : i32
        %mul3A_224 = arith.muli %scan3A_148, %mul3A_223 : i32
        %add3A_225 = arith.constant 80 : i32
        %add3A_226 = arith.addi %mul3A_224, %add3A_225 : i32
        %get3A_227 = arith.constant 0 : i32
        %get3A_228 = arith.index_cast %get3A_227 : i32 to index
        %get3A_229 = arith.index_cast %add3A_226 : i32 to index
        %get3A_230 = tpu.vector_load %arg7[%get3A_228, %get3A_229] {strides = array<i32>} : memref<2x2048xf32, #tpu.memory_space<vmem>>, vector<16xf32>,
        %mul3A_231 = arith.constant 9.990000e-01 : f32
        %mul3A_232 = vector.broadcast %mul3A_231 : f32 to vector<16xf32>
        %mul3A_233 = arith.mulf %get3A_230, %mul3A_232 : vector<16xf32>
        %swap3A_234 = arith.constant 0 : i32
        %swap3A_235 = arith.index_cast %swap3A_234 : i32 to index
        %swap3A_236 = arith.index_cast %add3A_226 : i32 to index
        %swap3A_237 = tpu.vector_load %arg7[%swap3A_235, %swap3A_236] {strides = array<i32>} : memref<2x2048xf32, #tpu.memory_space<vmem>>, vector<16xf32>,
        tpu.vector_store %arg7[%swap3A_235, %swap3A_236], %mul3A_233 {strides = array<i32>} : memref<2x2048xf32, #tpu.memory_space<vmem>>, vector<16xf32>,
        %mul3A_238 = arith.constant 128 : i32
        %mul3A_239 = arith.muli %scan3A_148, %mul3A_238 : i32
        %add3A_240 = arith.constant 96 : i32
        %add3A_241 = arith.addi %mul3A_239, %add3A_240 : i32
        %get3A_242 = arith.constant 0 : i32
        %get3A_243 = arith.index_cast %get3A_242 : i32 to index
        %get3A_244 = arith.index_cast %add3A_241 : i32 to index
        %get3A_245 = tpu.vector_load %arg7[%get3A_243, %get3A_244] {strides = array<i32>} : memref<2x2048xf32, #tpu.memory_space<vmem>>, vector<16xf32>,
        %mul3A_246 = arith.constant 9.990000e-01 : f32
        %mul3A_247 = vector.broadcast %mul3A_246 : f32 to vector<16xf32>
        %mul3A_248 = arith.mulf %get3A_245, %mul3A_247 : vector<16xf32>
        %swap3A_249 = arith.constant 0 : i32
        %swap3A_250 = arith.index_cast %swap3A_249 : i32 to index
        %swap3A_251 = arith.index_cast %add3A_241 : i32 to index
        %swap3A_252 = tpu.vector_load %arg7[%swap3A_250, %swap3A_251] {strides = array<i32>} : memref<2x2048xf32, #tpu.memory_space<vmem>>, vector<16xf32>,
        tpu.vector_store %arg7[%swap3A_250, %swap3A_251], %mul3A_248 {strides = array<i32>} : memref<2x2048xf32, #tpu.memory_space<vmem>>, vector<16xf32>,
        %mul3A_253 = arith.constant 128 : i32
        %mul3A_254 = arith.muli %scan3A_148, %mul3A_253 : i32
        %add3A_255 = arith.constant 112 : i32
        %add3A_256 = arith.addi %mul3A_254, %add3A_255 : i32
        %get3A_257 = arith.constant 0 : i32
        %get3A_258 = arith.index_cast %get3A_257 : i32 to index
        %get3A_259 = arith.index_cast %add3A_256 : i32 to index
        %get3A_260 = tpu.vector_load %arg7[%get3A_258, %get3A_259] {strides = array<i32>} : memref<2x2048xf32, #tpu.memory_space<vmem>>, vector<16xf32>,
        %mul3A_261 = arith.constant 9.990000e-01 : f32
        %mul3A_262 = vector.broadcast %mul3A_261 : f32 to vector<16xf32>
        %mul3A_263 = arith.mulf %get3A_260, %mul3A_262 : vector<16xf32>
        %swap3A_264 = arith.constant 0 : i32
        %swap3A_265 = arith.index_cast %swap3A_264 : i32 to index
        %swap3A_266 = arith.index_cast %add3A_256 : i32 to index
        %swap3A_267 = tpu.vector_load %arg7[%swap3A_265, %swap3A_266] {strides = array<i32>} : memref<2x2048xf32, #tpu.memory_space<vmem>>, vector<16xf32>,
        tpu.vector_store %arg7[%swap3A_265, %swap3A_266], %mul3A_263 {strides = array<i32>} : memref<2x2048xf32, #tpu.memory_space<vmem>>, vector<16xf32>,
        %scan3A_268 = arith.constant 0 : i32
        scf.yield %scan3A_268 : i32
      }
      %scan3A_79 = arith.constant 16 : i32
      %dma_start3A_80 = arith.constant 0 : i32
      %dma_start3A_81 = arith.constant 0 : i32
      %dma_start3A_82 = tpu.memref_slice %arg7[%dma_start3A_80, %dma_start3A_81] : memref<2x2048xf32, #tpu.memory_space<vmem>> -> memref<1x2048xf32, #tpu.memory_space<vmem>>
      %dma_start3A_83 = tpu.memref_squeeze %dma_start3A_82 : memref<1x2048xf32, #tpu.memory_space<vmem>> -> memref<2048xf32, #tpu.memory_space<vmem>>
      %dma_start3A_84 = tpu.memref_slice %arg4[%add3A_41] : memref<1048576xf32, #tpu.memory_space<hbm>> -> memref<2048xf32, #tpu.memory_space<hbm>>
      %dma_start3A_85 = tpu.memref_slice %arg4[%add3A_41] : memref<1048576xf32, #tpu.memory_space<hbm>> -> memref<2048xf32, #tpu.memory_space<hbm>>
      %dma_start3A_86 = arith.constant 0 : i32
      %dma_start3A_87 = tpu.memref_slice %arg7[%dma_start3A_80, %dma_start3A_86] : memref<2x2048xf32, #tpu.memory_space<vmem>> -> memref<1x2048xf32, #tpu.memory_space<vmem>>
      %dma_start3A_88 = tpu.memref_squeeze %dma_start3A_87 : memref<1x2048xf32, #tpu.memory_space<vmem>> -> memref<2048xf32, #tpu.memory_space<vmem>>
      tpu.enqueue_dma source(%dma_start3A_88 : memref<2048xf32, #tpu.memory_space<vmem>>) target(%dma_start3A_85 : memref<2048xf32, #tpu.memory_space<hbm>>) target_semaphore(%arg10 : memref<!tpu.dma_semaphore, #tpu.memory_space<semaphore_mem>>)
      %mul3A_89 = arith.constant 2 : i32
      %mul3A_90 = arith.muli %mul3A_89, %scan3A_35 : i32
      %add3A_91 = arith.constant 1 : i32
      %add3A_92 = arith.addi %mul3A_90, %add3A_91 : i32
      %mul3A_93 = arith.constant 2048 : i32
      %mul3A_94 = arith.muli %add3A_92, %mul3A_93 : i32
      %add3A_95 = arith.addi %mul3A_2, %mul3A_94 : i32
      %mul3A_96 = arith.constant 2048 : i32
      %mul3A_97 = arith.muli %add3A_92, %mul3A_96 : i32
      %add3A_98 = arith.addi %mul3A_2, %mul3A_97 : i32
      %dma_wait3A_99 = arith.constant 2048 : i32
      %dma_wait3A_100 = tpu.memref_slice %arg5[%dma_wait3A_99] : memref<4096xf32, #tpu.memory_space<vmem>> -> memref<2048xf32, #tpu.memory_space<vmem>>
      %dma_wait3A_101 = tpu.memref_slice %arg2[%add3A_98] : memref<1048576xf32, #tpu.memory_space<hbm>> -> memref<2048xf32, #tpu.memory_space<hbm>>
      %dma_wait3A_102 = arith.constant 2048 : i32
      %dma_wait3A_103 = tpu.memref_slice %arg5[%dma_wait3A_102] : memref<4096xf32, #tpu.memory_space<vmem>> -> memref<2048xf32, #tpu.memory_space<vmem>>
      %dma_wait3A_104 = tpu.memref_slice %arg2[%add3A_98] : memref<1048576xf32, #tpu.memory_space<hbm>> -> memref<2048xf32, #tpu.memory_space<hbm>>
      tpu.wait_dma2 semaphore(%arg8 : memref<!tpu.dma_semaphore, #tpu.memory_space<semaphore_mem>>) src(%dma_wait3A_104 : memref<2048xf32, #tpu.memory_space<hbm>>) dst(%dma_wait3A_103 : memref<2048xf32, #tpu.memory_space<vmem>>)
      %add3A_105 = arith.constant 1 : i32
      %add3A_106 = arith.addi %add3A_92, %add3A_105 : i32
      %lt3A_107 = arith.constant 16 : i32
      %lt3A_108 = arith.cmpi slt, %add3A_106, %lt3A_107 : i32
      %convert_element_type3A_109 = arith.extui %lt3A_108 : i1 to i32
      %cond3A_110 = arith.constant 0 : i32
      %cond3A_111 = arith.cmpi ne, %convert_element_type3A_109, %cond3A_110 : i32
      scf.if %cond3A_111 {
        %add3A_148 = arith.constant 1 : i32
        %add3A_149 = arith.addi %add3A_92, %add3A_148 : i32
        %mul3A_150 = arith.constant 2048 : i32
        %mul3A_151 = arith.muli %add3A_149, %mul3A_150 : i32
        %add3A_152 = arith.addi %mul3A_2, %mul3A_151 : i32
        %dma_start3A_153 = arith.constant 0 : i32
        %dma_start3A_154 = tpu.memref_slice %arg5[%dma_start3A_153] : memref<4096xf32, #tpu.memory_space<vmem>> -> memref<2048xf32, #tpu.memory_space<vmem>>
        %dma_start3A_155 = tpu.memref_slice %arg2[%add3A_152] : memref<1048576xf32, #tpu.memory_space<hbm>> -> memref<2048xf32, #tpu.memory_space<hbm>>
        %dma_start3A_156 = arith.constant 0 : i32
        %dma_start3A_157 = tpu.memref_slice %arg5[%dma_start3A_156] : memref<4096xf32, #tpu.memory_space<vmem>> -> memref<2048xf32, #tpu.memory_space<vmem>>
        %dma_start3A_158 = tpu.memref_slice %arg2[%add3A_152] : memref<1048576xf32, #tpu.memory_space<hbm>> -> memref<2048xf32, #tpu.memory_space<hbm>>
        tpu.enqueue_dma source(%dma_start3A_158 : memref<2048xf32, #tpu.memory_space<hbm>>) target(%dma_start3A_157 : memref<2048xf32, #tpu.memory_space<vmem>>) target_semaphore(%arg8 : memref<!tpu.dma_semaphore, #tpu.memory_space<semaphore_mem>>)
      } else {
      }
      %ge3A_112 = arith.constant 2 : i32
      %ge3A_113 = arith.cmpi sge, %add3A_92, %ge3A_112 : i32
      %convert_element_type3A_114 = arith.extui %ge3A_113 : i1 to i32
      %cond3A_115 = arith.constant 0 : i32
      %cond3A_116 = arith.cmpi ne, %convert_element_type3A_114, %cond3A_115 : i32
      scf.if %cond3A_116 {
        %dma_wait3A_148 = arith.constant 1 : i32
        %dma_wait3A_149 = arith.constant 0 : i32
        %dma_wait3A_150 = tpu.memref_slice %arg7[%dma_wait3A_148, %dma_wait3A_149] : memref<2x2048xf32, #tpu.memory_space<vmem>> -> memref<1x2048xf32, #tpu.memory_space<vmem>>
        %dma_wait3A_151 = tpu.memref_squeeze %dma_wait3A_150 : memref<1x2048xf32, #tpu.memory_space<vmem>> -> memref<2048xf32, #tpu.memory_space<vmem>>
        %dma_wait3A_152 = tpu.memref_slice %arg4[%mul3A_2] : memref<1048576xf32, #tpu.memory_space<hbm>> -> memref<2048xf32, #tpu.memory_space<hbm>>
        %dma_wait3A_153 = tpu.memref_slice %arg4[%mul3A_2] : memref<1048576xf32, #tpu.memory_space<hbm>> -> memref<2048xf32, #tpu.memory_space<hbm>>
        %dma_wait3A_154 = arith.constant 0 : i32
        %dma_wait3A_155 = tpu.memref_slice %arg7[%dma_wait3A_148, %dma_wait3A_154] : memref<2x2048xf32, #tpu.memory_space<vmem>> -> memref<1x2048xf32, #tpu.memory_space<vmem>>
        %dma_wait3A_156 = tpu.memref_squeeze %dma_wait3A_155 : memref<1x2048xf32, #tpu.memory_space<vmem>> -> memref<2048xf32, #tpu.memory_space<vmem>>
        tpu.wait_dma2 semaphore(%arg10 : memref<!tpu.dma_semaphore, #tpu.memory_space<semaphore_mem>>) src(%dma_wait3A_156 : memref<2048xf32, #tpu.memory_space<vmem>>) dst(%dma_wait3A_153 : memref<2048xf32, #tpu.memory_space<hbm>>)
      } else {
      }
      %scan3A_117 = arith.constant 0 : i32
      %scan3A_118 = arith.constant 0 : i32
      %scan3A_119 = arith.constant 16 : i32
      %scan3A_120 = arith.addi %scan3A_118, %scan3A_119 : i32
      %scan3A_121 = arith.constant 1 : i32
      %scan3A_122 = scf.for %scan3A_148 = %scan3A_118 to %scan3A_120 step %scan3A_121 iter_args(%scan3A_149 = %scan3A_117) -> (i32)  : i32 {
        %mul3A_150 = arith.constant 128 : i32
        %mul3A_151 = arith.muli %scan3A_148, %mul3A_150 : i32
        %add3A_152 = arith.constant 0 : i32
        %add3A_153 = arith.addi %mul3A_151, %add3A_152 : i32
        %add3A_154 = arith.constant 2048 : i32
        %add3A_155 = arith.addi %add3A_154, %add3A_153 : i32
        %get3A = arith.index_cast %add3A_155 : i32 to index
        %get3A_156 = tpu.vector_load %arg5[%get3A] {strides = array<i32>} : memref<4096xf32, #tpu.memory_space<vmem>>, vector<16xf32>,
        %mul3A_157 = vector.broadcast %scan3A : f32 to vector<16xf32>
        %mul3A_158 = arith.mulf %get3A_156, %mul3A_157 : vector<16xf32>
        %convert_element_type3A_159 = arith.fptosi %mul3A_158 : vector<16xf32> to vector<16xi32>
        %jit3A = arith.constant 0 : i32
        %max3A = vector.broadcast %jit3A : i32 to vector<16xi32>
        %max3A_160 = arith.maxsi %max3A, %convert_element_type3A_159 : vector<16xi32>
        %min3A = vector.broadcast %scan3A_10 : i32 to vector<16xi32>
        %min3A_161 = arith.minsi %min3A, %max3A_160 : vector<16xi32>
        %add3A_162 = arith.addi %add3A_95, %add3A_153 : i32
        %iota3A = tpu.iota {dimensions = array<i32: 0>} : vector<16xi32>
        %add3A_163 = vector.broadcast %add3A_162 : i32 to vector<16xi32>
        %add3A_164 = arith.addi %add3A_163, %iota3A : vector<16xi32>
        %mul3A_165 = arith.constant 32 : i32
        %mul3A_166 = vector.broadcast %mul3A_165 : i32 to vector<16xi32>
        %mul3A_167 = arith.muli %add3A_164, %mul3A_166 : vector<16xi32>
        %add3A_168 = arith.addi %mul3A_167, %min3A_161 : vector<16xi32>
        %swap3A = arith.constant 1 : i32
        %swap3A_169 = arith.index_cast %swap3A : i32 to index
        %swap3A_170 = arith.index_cast %scan3A_148 : i32 to index
        %swap3A_171 = arith.constant 0 : index
        %swap3A_172 = tpu.vector_load %arg6[%swap3A_169, %swap3A_170, %swap3A_171] {strides = array<i32>} : memref<2x16x128xi32, #tpu.memory_space<vmem>>, vector<16xi32>,
        tpu.vector_store %arg6[%swap3A_169, %swap3A_170, %swap3A_171], %add3A_168 {strides = array<i32>} : memref<2x16x128xi32, #tpu.memory_space<vmem>>, vector<16xi32>,
        %mul3A_173 = arith.constant 128 : i32
        %mul3A_174 = arith.muli %scan3A_148, %mul3A_173 : i32
        %add3A_175 = arith.constant 16 : i32
        %add3A_176 = arith.addi %mul3A_174, %add3A_175 : i32
        %add3A_177 = arith.constant 2048 : i32
        %add3A_178 = arith.addi %add3A_177, %add3A_176 : i32
        %get3A_179 = arith.index_cast %add3A_178 : i32 to index
        %get3A_180 = tpu.vector_load %arg5[%get3A_179] {strides = array<i32>} : memref<4096xf32, #tpu.memory_space<vmem>>, vector<16xf32>,
        %mul3A_181 = vector.broadcast %scan3A : f32 to vector<16xf32>
        %mul3A_182 = arith.mulf %get3A_180, %mul3A_181 : vector<16xf32>
        %convert_element_type3A_183 = arith.fptosi %mul3A_182 : vector<16xf32> to vector<16xi32>
        %jit3A_184 = arith.constant 0 : i32
        %max3A_185 = vector.broadcast %jit3A_184 : i32 to vector<16xi32>
        %max3A_186 = arith.maxsi %max3A_185, %convert_element_type3A_183 : vector<16xi32>
        %min3A_187 = vector.broadcast %scan3A_10 : i32 to vector<16xi32>
        %min3A_188 = arith.minsi %min3A_187, %max3A_186 : vector<16xi32>
        %add3A_189 = arith.addi %add3A_95, %add3A_176 : i32
        %iota3A_190 = tpu.iota {dimensions = array<i32: 0>} : vector<16xi32>
        %add3A_191 = vector.broadcast %add3A_189 : i32 to vector<16xi32>
        %add3A_192 = arith.addi %add3A_191, %iota3A_190 : vector<16xi32>
        %mul3A_193 = arith.constant 32 : i32
        %mul3A_194 = vector.broadcast %mul3A_193 : i32 to vector<16xi32>
        %mul3A_195 = arith.muli %add3A_192, %mul3A_194 : vector<16xi32>
        %add3A_196 = arith.addi %mul3A_195, %min3A_188 : vector<16xi32>
        %swap3A_197 = arith.constant 1 : i32
        %swap3A_198 = arith.index_cast %swap3A_197 : i32 to index
        %swap3A_199 = arith.index_cast %scan3A_148 : i32 to index
        %swap3A_200 = arith.constant 16 : index
        %swap3A_201 = tpu.vector_load %arg6[%swap3A_198, %swap3A_199, %swap3A_200] {strides = array<i32>} : memref<2x16x128xi32, #tpu.memory_space<vmem>>, vector<16xi32>,
        tpu.vector_store %arg6[%swap3A_198, %swap3A_199, %swap3A_200], %add3A_196 {strides = array<i32>} : memref<2x16x128xi32, #tpu.memory_space<vmem>>, vector<16xi32>,
        %mul3A_202 = arith.constant 128 : i32
        %mul3A_203 = arith.muli %scan3A_148, %mul3A_202 : i32
        %add3A_204 = arith.constant 32 : i32
        %add3A_205 = arith.addi %mul3A_203, %add3A_204 : i32
        %add3A_206 = arith.constant 2048 : i32
        %add3A_207 = arith.addi %add3A_206, %add3A_205 : i32
        %get3A_208 = arith.index_cast %add3A_207 : i32 to index
        %get3A_209 = tpu.vector_load %arg5[%get3A_208] {strides = array<i32>} : memref<4096xf32, #tpu.memory_space<vmem>>, vector<16xf32>,
        %mul3A_210 = vector.broadcast %scan3A : f32 to vector<16xf32>
        %mul3A_211 = arith.mulf %get3A_209, %mul3A_210 : vector<16xf32>
        %convert_element_type3A_212 = arith.fptosi %mul3A_211 : vector<16xf32> to vector<16xi32>
        %jit3A_213 = arith.constant 0 : i32
        %max3A_214 = vector.broadcast %jit3A_213 : i32 to vector<16xi32>
        %max3A_215 = arith.maxsi %max3A_214, %convert_element_type3A_212 : vector<16xi32>
        %min3A_216 = vector.broadcast %scan3A_10 : i32 to vector<16xi32>
        %min3A_217 = arith.minsi %min3A_216, %max3A_215 : vector<16xi32>
        %add3A_218 = arith.addi %add3A_95, %add3A_205 : i32
        %iota3A_219 = tpu.iota {dimensions = array<i32: 0>} : vector<16xi32>
        %add3A_220 = vector.broadcast %add3A_218 : i32 to vector<16xi32>
        %add3A_221 = arith.addi %add3A_220, %iota3A_219 : vector<16xi32>
        %mul3A_222 = arith.constant 32 : i32
        %mul3A_223 = vector.broadcast %mul3A_222 : i32 to vector<16xi32>
        %mul3A_224 = arith.muli %add3A_221, %mul3A_223 : vector<16xi32>
        %add3A_225 = arith.addi %mul3A_224, %min3A_217 : vector<16xi32>
        %swap3A_226 = arith.constant 1 : i32
        %swap3A_227 = arith.index_cast %swap3A_226 : i32 to index
        %swap3A_228 = arith.index_cast %scan3A_148 : i32 to index
        %swap3A_229 = arith.constant 32 : index
        %swap3A_230 = tpu.vector_load %arg6[%swap3A_227, %swap3A_228, %swap3A_229] {strides = array<i32>} : memref<2x16x128xi32, #tpu.memory_space<vmem>>, vector<16xi32>,
        tpu.vector_store %arg6[%swap3A_227, %swap3A_228, %swap3A_229], %add3A_225 {strides = array<i32>} : memref<2x16x128xi32, #tpu.memory_space<vmem>>, vector<16xi32>,
        %mul3A_231 = arith.constant 128 : i32
        %mul3A_232 = arith.muli %scan3A_148, %mul3A_231 : i32
        %add3A_233 = arith.constant 48 : i32
        %add3A_234 = arith.addi %mul3A_232, %add3A_233 : i32
        %add3A_235 = arith.constant 2048 : i32
        %add3A_236 = arith.addi %add3A_235, %add3A_234 : i32
        %get3A_237 = arith.index_cast %add3A_236 : i32 to index
        %get3A_238 = tpu.vector_load %arg5[%get3A_237] {strides = array<i32>} : memref<4096xf32, #tpu.memory_space<vmem>>, vector<16xf32>,
        %mul3A_239 = vector.broadcast %scan3A : f32 to vector<16xf32>
        %mul3A_240 = arith.mulf %get3A_238, %mul3A_239 : vector<16xf32>
        %convert_element_type3A_241 = arith.fptosi %mul3A_240 : vector<16xf32> to vector<16xi32>
        %jit3A_242 = arith.constant 0 : i32
        %max3A_243 = vector.broadcast %jit3A_242 : i32 to vector<16xi32>
        %max3A_244 = arith.maxsi %max3A_243, %convert_element_type3A_241 : vector<16xi32>
        %min3A_245 = vector.broadcast %scan3A_10 : i32 to vector<16xi32>
        %min3A_246 = arith.minsi %min3A_245, %max3A_244 : vector<16xi32>
        %add3A_247 = arith.addi %add3A_95, %add3A_234 : i32
        %iota3A_248 = tpu.iota {dimensions = array<i32: 0>} : vector<16xi32>
        %add3A_249 = vector.broadcast %add3A_247 : i32 to vector<16xi32>
        %add3A_250 = arith.addi %add3A_249, %iota3A_248 : vector<16xi32>
        %mul3A_251 = arith.constant 32 : i32
        %mul3A_252 = vector.broadcast %mul3A_251 : i32 to vector<16xi32>
        %mul3A_253 = arith.muli %add3A_250, %mul3A_252 : vector<16xi32>
        %add3A_254 = arith.addi %mul3A_253, %min3A_246 : vector<16xi32>
        %swap3A_255 = arith.constant 1 : i32
        %swap3A_256 = arith.index_cast %swap3A_255 : i32 to index
        %swap3A_257 = arith.index_cast %scan3A_148 : i32 to index
        %swap3A_258 = arith.constant 48 : index
        %swap3A_259 = tpu.vector_load %arg6[%swap3A_256, %swap3A_257, %swap3A_258] {strides = array<i32>} : memref<2x16x128xi32, #tpu.memory_space<vmem>>, vector<16xi32>,
        tpu.vector_store %arg6[%swap3A_256, %swap3A_257, %swap3A_258], %add3A_254 {strides = array<i32>} : memref<2x16x128xi32, #tpu.memory_space<vmem>>, vector<16xi32>,
        %mul3A_260 = arith.constant 128 : i32
        %mul3A_261 = arith.muli %scan3A_148, %mul3A_260 : i32
        %add3A_262 = arith.constant 64 : i32
        %add3A_263 = arith.addi %mul3A_261, %add3A_262 : i32
        %add3A_264 = arith.constant 2048 : i32
        %add3A_265 = arith.addi %add3A_264, %add3A_263 : i32
        %get3A_266 = arith.index_cast %add3A_265 : i32 to index
        %get3A_267 = tpu.vector_load %arg5[%get3A_266] {strides = array<i32>} : memref<4096xf32, #tpu.memory_space<vmem>>, vector<16xf32>,
        %mul3A_268 = vector.broadcast %scan3A : f32 to vector<16xf32>
        %mul3A_269 = arith.mulf %get3A_267, %mul3A_268 : vector<16xf32>
        %convert_element_type3A_270 = arith.fptosi %mul3A_269 : vector<16xf32> to vector<16xi32>
        %jit3A_271 = arith.constant 0 : i32
        %max3A_272 = vector.broadcast %jit3A_271 : i32 to vector<16xi32>
        %max3A_273 = arith.maxsi %max3A_272, %convert_element_type3A_270 : vector<16xi32>
        %min3A_274 = vector.broadcast %scan3A_10 : i32 to vector<16xi32>
        %min3A_275 = arith.minsi %min3A_274, %max3A_273 : vector<16xi32>
        %add3A_276 = arith.addi %add3A_95, %add3A_263 : i32
        %iota3A_277 = tpu.iota {dimensions = array<i32: 0>} : vector<16xi32>
        %add3A_278 = vector.broadcast %add3A_276 : i32 to vector<16xi32>
        %add3A_279 = arith.addi %add3A_278, %iota3A_277 : vector<16xi32>
        %mul3A_280 = arith.constant 32 : i32
        %mul3A_281 = vector.broadcast %mul3A_280 : i32 to vector<16xi32>
        %mul3A_282 = arith.muli %add3A_279, %mul3A_281 : vector<16xi32>
        %add3A_283 = arith.addi %mul3A_282, %min3A_275 : vector<16xi32>
        %swap3A_284 = arith.constant 1 : i32
        %swap3A_285 = arith.index_cast %swap3A_284 : i32 to index
        %swap3A_286 = arith.index_cast %scan3A_148 : i32 to index
        %swap3A_287 = arith.constant 64 : index
        %swap3A_288 = tpu.vector_load %arg6[%swap3A_285, %swap3A_286, %swap3A_287] {strides = array<i32>} : memref<2x16x128xi32, #tpu.memory_space<vmem>>, vector<16xi32>,
        tpu.vector_store %arg6[%swap3A_285, %swap3A_286, %swap3A_287], %add3A_283 {strides = array<i32>} : memref<2x16x128xi32, #tpu.memory_space<vmem>>, vector<16xi32>,
        %mul3A_289 = arith.constant 128 : i32
        %mul3A_290 = arith.muli %scan3A_148, %mul3A_289 : i32
        %add3A_291 = arith.constant 80 : i32
        %add3A_292 = arith.addi %mul3A_290, %add3A_291 : i32
        %add3A_293 = arith.constant 2048 : i32
        %add3A_294 = arith.addi %add3A_293, %add3A_292 : i32
        %get3A_295 = arith.index_cast %add3A_294 : i32 to index
        %get3A_296 = tpu.vector_load %arg5[%get3A_295] {strides = array<i32>} : memref<4096xf32, #tpu.memory_space<vmem>>, vector<16xf32>,
        %mul3A_297 = vector.broadcast %scan3A : f32 to vector<16xf32>
        %mul3A_298 = arith.mulf %get3A_296, %mul3A_297 : vector<16xf32>
        %convert_element_type3A_299 = arith.fptosi %mul3A_298 : vector<16xf32> to vector<16xi32>
        %jit3A_300 = arith.constant 0 : i32
        %max3A_301 = vector.broadcast %jit3A_300 : i32 to vector<16xi32>
        %max3A_302 = arith.maxsi %max3A_301, %convert_element_type3A_299 : vector<16xi32>
        %min3A_303 = vector.broadcast %scan3A_10 : i32 to vector<16xi32>
        %min3A_304 = arith.minsi %min3A_303, %max3A_302 : vector<16xi32>
        %add3A_305 = arith.addi %add3A_95, %add3A_292 : i32
        %iota3A_306 = tpu.iota {dimensions = array<i32: 0>} : vector<16xi32>
        %add3A_307 = vector.broadcast %add3A_305 : i32 to vector<16xi32>
        %add3A_308 = arith.addi %add3A_307, %iota3A_306 : vector<16xi32>
        %mul3A_309 = arith.constant 32 : i32
        %mul3A_310 = vector.broadcast %mul3A_309 : i32 to vector<16xi32>
        %mul3A_311 = arith.muli %add3A_308, %mul3A_310 : vector<16xi32>
        %add3A_312 = arith.addi %mul3A_311, %min3A_304 : vector<16xi32>
        %swap3A_313 = arith.constant 1 : i32
        %swap3A_314 = arith.index_cast %swap3A_313 : i32 to index
        %swap3A_315 = arith.index_cast %scan3A_148 : i32 to index
        %swap3A_316 = arith.constant 80 : index
        %swap3A_317 = tpu.vector_load %arg6[%swap3A_314, %swap3A_315, %swap3A_316] {strides = array<i32>} : memref<2x16x128xi32, #tpu.memory_space<vmem>>, vector<16xi32>,
        tpu.vector_store %arg6[%swap3A_314, %swap3A_315, %swap3A_316], %add3A_312 {strides = array<i32>} : memref<2x16x128xi32, #tpu.memory_space<vmem>>, vector<16xi32>,
        %mul3A_318 = arith.constant 128 : i32
        %mul3A_319 = arith.muli %scan3A_148, %mul3A_318 : i32
        %add3A_320 = arith.constant 96 : i32
        %add3A_321 = arith.addi %mul3A_319, %add3A_320 : i32
        %add3A_322 = arith.constant 2048 : i32
        %add3A_323 = arith.addi %add3A_322, %add3A_321 : i32
        %get3A_324 = arith.index_cast %add3A_323 : i32 to index
        %get3A_325 = tpu.vector_load %arg5[%get3A_324] {strides = array<i32>} : memref<4096xf32, #tpu.memory_space<vmem>>, vector<16xf32>,
        %mul3A_326 = vector.broadcast %scan3A : f32 to vector<16xf32>
        %mul3A_327 = arith.mulf %get3A_325, %mul3A_326 : vector<16xf32>
        %convert_element_type3A_328 = arith.fptosi %mul3A_327 : vector<16xf32> to vector<16xi32>
        %jit3A_329 = arith.constant 0 : i32
        %max3A_330 = vector.broadcast %jit3A_329 : i32 to vector<16xi32>
        %max3A_331 = arith.maxsi %max3A_330, %convert_element_type3A_328 : vector<16xi32>
        %min3A_332 = vector.broadcast %scan3A_10 : i32 to vector<16xi32>
        %min3A_333 = arith.minsi %min3A_332, %max3A_331 : vector<16xi32>
        %add3A_334 = arith.addi %add3A_95, %add3A_321 : i32
        %iota3A_335 = tpu.iota {dimensions = array<i32: 0>} : vector<16xi32>
        %add3A_336 = vector.broadcast %add3A_334 : i32 to vector<16xi32>
        %add3A_337 = arith.addi %add3A_336, %iota3A_335 : vector<16xi32>
        %mul3A_338 = arith.constant 32 : i32
        %mul3A_339 = vector.broadcast %mul3A_338 : i32 to vector<16xi32>
        %mul3A_340 = arith.muli %add3A_337, %mul3A_339 : vector<16xi32>
        %add3A_341 = arith.addi %mul3A_340, %min3A_333 : vector<16xi32>
        %swap3A_342 = arith.constant 1 : i32
        %swap3A_343 = arith.index_cast %swap3A_342 : i32 to index
        %swap3A_344 = arith.index_cast %scan3A_148 : i32 to index
        %swap3A_345 = arith.constant 96 : index
        %swap3A_346 = tpu.vector_load %arg6[%swap3A_343, %swap3A_344, %swap3A_345] {strides = array<i32>} : memref<2x16x128xi32, #tpu.memory_space<vmem>>, vector<16xi32>,
        tpu.vector_store %arg6[%swap3A_343, %swap3A_344, %swap3A_345], %add3A_341 {strides = array<i32>} : memref<2x16x128xi32, #tpu.memory_space<vmem>>, vector<16xi32>,
        %mul3A_347 = arith.constant 128 : i32
        %mul3A_348 = arith.muli %scan3A_148, %mul3A_347 : i32
        %add3A_349 = arith.constant 112 : i32
        %add3A_350 = arith.addi %mul3A_348, %add3A_349 : i32
        %add3A_351 = arith.constant 2048 : i32
        %add3A_352 = arith.addi %add3A_351, %add3A_350 : i32
        %get3A_353 = arith.index_cast %add3A_352 : i32 to index
        %get3A_354 = tpu.vector_load %arg5[%get3A_353] {strides = array<i32>} : memref<4096xf32, #tpu.memory_space<vmem>>, vector<16xf32>,
        %mul3A_355 = vector.broadcast %scan3A : f32 to vector<16xf32>
        %mul3A_356 = arith.mulf %get3A_354, %mul3A_355 : vector<16xf32>
        %convert_element_type3A_357 = arith.fptosi %mul3A_356 : vector<16xf32> to vector<16xi32>
        %jit3A_358 = arith.constant 0 : i32
        %max3A_359 = vector.broadcast %jit3A_358 : i32 to vector<16xi32>
        %max3A_360 = arith.maxsi %max3A_359, %convert_element_type3A_357 : vector<16xi32>
        %min3A_361 = vector.broadcast %scan3A_10 : i32 to vector<16xi32>
        %min3A_362 = arith.minsi %min3A_361, %max3A_360 : vector<16xi32>
        %add3A_363 = arith.addi %add3A_95, %add3A_350 : i32
        %iota3A_364 = tpu.iota {dimensions = array<i32: 0>} : vector<16xi32>
        %add3A_365 = vector.broadcast %add3A_363 : i32 to vector<16xi32>
        %add3A_366 = arith.addi %add3A_365, %iota3A_364 : vector<16xi32>
        %mul3A_367 = arith.constant 32 : i32
        %mul3A_368 = vector.broadcast %mul3A_367 : i32 to vector<16xi32>
        %mul3A_369 = arith.muli %add3A_366, %mul3A_368 : vector<16xi32>
        %add3A_370 = arith.addi %mul3A_369, %min3A_362 : vector<16xi32>
        %swap3A_371 = arith.constant 1 : i32
        %swap3A_372 = arith.index_cast %swap3A_371 : i32 to index
        %swap3A_373 = arith.index_cast %scan3A_148 : i32 to index
        %swap3A_374 = arith.constant 112 : index
        %swap3A_375 = tpu.vector_load %arg6[%swap3A_372, %swap3A_373, %swap3A_374] {strides = array<i32>} : memref<2x16x128xi32, #tpu.memory_space<vmem>>, vector<16xi32>,
        tpu.vector_store %arg6[%swap3A_372, %swap3A_373, %swap3A_374], %add3A_370 {strides = array<i32>} : memref<2x16x128xi32, #tpu.memory_space<vmem>>, vector<16xi32>,
        %mul3A_376 = arith.constant 128 : i32
        %mul3A_377 = arith.muli %scan3A_148, %mul3A_376 : i32
        %dma_start3A_378 = arith.constant 1 : i32
        %dma_start3A_379 = arith.constant 1 : i32
        %dma_start3A_380 = tpu.memref_slice %arg7[%dma_start3A_379, %mul3A_377] : memref<2x2048xf32, #tpu.memory_space<vmem>> -> memref<1x128xf32, #tpu.memory_space<vmem>>
        %dma_start3A_381 = tpu.memref_squeeze %dma_start3A_380 : memref<1x128xf32, #tpu.memory_space<vmem>> -> memref<128xf32, #tpu.memory_space<vmem>>
        %dma_start3A_382 = arith.constant 0 : i32
        %dma_start3A_383 = tpu.memref_slice %arg6[%dma_start3A_378, %scan3A_148, %dma_start3A_382] : memref<2x16x128xi32, #tpu.memory_space<vmem>> -> memref<1x1x128xi32, #tpu.memory_space<vmem>>
        %dma_start3A_384 = tpu.memref_squeeze %dma_start3A_383 : memref<1x1x128xi32, #tpu.memory_space<vmem>> -> memref<128xi32, #tpu.memory_space<vmem>>
        %dma_start3A_385 = arith.constant 0 : i32
        %dma_start3A_386 = tpu.memref_slice %arg3[%dma_start3A_385] : memref<33554432xf32, #tpu.memory_space<hbm>> -> memref<33554432xf32, #tpu.memory_space<hbm>>
        tpu.enqueue_indirect_dma source(%dma_start3A_386 : memref<33554432xf32, #tpu.memory_space<hbm>>) target(%dma_start3A_381 : memref<128xf32, #tpu.memory_space<vmem>>) offsets(%dma_start3A_384 : memref<128xi32, #tpu.memory_space<vmem>>) semaphore(%arg9 : memref<!tpu.dma_semaphore, #tpu.memory_space<semaphore_mem>>)
        %scan3A_387 = arith.constant 0 : i32
        scf.yield %scan3A_387 : i32
      }
      %scan3A_123 = arith.constant 16 : i32
      %scan3A_124 = arith.constant 0 : i32
      %scan3A_125 = arith.constant 0 : i32
      %scan3A_126 = arith.constant 16 : i32
      %scan3A_127 = arith.addi %scan3A_125, %scan3A_126 : i32
      %scan3A_128 = arith.constant 1 : i32
      %scan3A_129 = scf.for %scan3A_148 = %scan3A_125 to %scan3A_127 step %scan3A_128 iter_args(%scan3A_149 = %scan3A_124) -> (i32)  : i32 {
        %dma_wait3A_150 = arith.constant 1 : i32
        %dma_wait3A_151 = arith.constant 0 : i32
        %dma_wait3A_152 = arith.constant 1 : i32
        %dma_wait3A_153 = arith.constant 0 : i32
        %dma_wait3A_154 = tpu.memref_slice %arg7[%dma_wait3A_152, %dma_wait3A_153] : memref<2x2048xf32, #tpu.memory_space<vmem>> -> memref<1x128xf32, #tpu.memory_space<vmem>>
        %dma_wait3A_155 = tpu.memref_squeeze %dma_wait3A_154 : memref<1x128xf32, #tpu.memory_space<vmem>> -> memref<128xf32, #tpu.memory_space<vmem>>
        %dma_wait3A_156 = arith.constant 0 : i32
        %dma_wait3A_157 = tpu.memref_slice %arg6[%dma_wait3A_150, %dma_wait3A_151, %dma_wait3A_156] : memref<2x16x128xi32, #tpu.memory_space<vmem>> -> memref<1x1x128xi32, #tpu.memory_space<vmem>>
        %dma_wait3A_158 = tpu.memref_squeeze %dma_wait3A_157 : memref<1x1x128xi32, #tpu.memory_space<vmem>> -> memref<128xi32, #tpu.memory_space<vmem>>
        %dma_wait3A_159 = arith.constant 0 : i32
        %dma_wait3A_160 = tpu.memref_slice %arg3[%dma_wait3A_159] : memref<33554432xf32, #tpu.memory_space<hbm>> -> memref<33554432xf32, #tpu.memory_space<hbm>>
        tpu.wait_indirect_dma semaphore(%arg9 : memref<!tpu.dma_semaphore, #tpu.memory_space<semaphore_mem>>) src(%dma_wait3A_160 : memref<33554432xf32, #tpu.memory_space<hbm>>) dst(%dma_wait3A_155 : memref<128xf32, #tpu.memory_space<vmem>>)
        %scan3A_161 = arith.constant 0 : i32
        scf.yield %scan3A_161 : i32
      }
      %scan3A_130 = arith.constant 16 : i32
      %scan3A_131 = arith.constant 0 : i32
      %scan3A_132 = arith.constant 0 : i32
      %scan3A_133 = arith.constant 16 : i32
      %scan3A_134 = arith.addi %scan3A_132, %scan3A_133 : i32
      %scan3A_135 = arith.constant 1 : i32
      %scan3A_136 = scf.for %scan3A_148 = %scan3A_132 to %scan3A_134 step %scan3A_135 iter_args(%scan3A_149 = %scan3A_131) -> (i32)  : i32 {
        %mul3A_150 = arith.constant 128 : i32
        %mul3A_151 = arith.muli %scan3A_148, %mul3A_150 : i32
        %add3A_152 = arith.constant 0 : i32
        %add3A_153 = arith.addi %mul3A_151, %add3A_152 : i32
        %get3A = arith.constant 1 : i32
        %get3A_154 = arith.index_cast %get3A : i32 to index
        %get3A_155 = arith.index_cast %add3A_153 : i32 to index
        %get3A_156 = tpu.vector_load %arg7[%get3A_154, %get3A_155] {strides = array<i32>} : memref<2x2048xf32, #tpu.memory_space<vmem>>, vector<16xf32>,
        %mul3A_157 = arith.constant 9.990000e-01 : f32
        %mul3A_158 = vector.broadcast %mul3A_157 : f32 to vector<16xf32>
        %mul3A_159 = arith.mulf %get3A_156, %mul3A_158 : vector<16xf32>
        %swap3A = arith.constant 1 : i32
        %swap3A_160 = arith.index_cast %swap3A : i32 to index
        %swap3A_161 = arith.index_cast %add3A_153 : i32 to index
        %swap3A_162 = tpu.vector_load %arg7[%swap3A_160, %swap3A_161] {strides = array<i32>} : memref<2x2048xf32, #tpu.memory_space<vmem>>, vector<16xf32>,
        tpu.vector_store %arg7[%swap3A_160, %swap3A_161], %mul3A_159 {strides = array<i32>} : memref<2x2048xf32, #tpu.memory_space<vmem>>, vector<16xf32>,
        %mul3A_163 = arith.constant 128 : i32
        %mul3A_164 = arith.muli %scan3A_148, %mul3A_163 : i32
        %add3A_165 = arith.constant 16 : i32
        %add3A_166 = arith.addi %mul3A_164, %add3A_165 : i32
        %get3A_167 = arith.constant 1 : i32
        %get3A_168 = arith.index_cast %get3A_167 : i32 to index
        %get3A_169 = arith.index_cast %add3A_166 : i32 to index
        %get3A_170 = tpu.vector_load %arg7[%get3A_168, %get3A_169] {strides = array<i32>} : memref<2x2048xf32, #tpu.memory_space<vmem>>, vector<16xf32>,
        %mul3A_171 = arith.constant 9.990000e-01 : f32
        %mul3A_172 = vector.broadcast %mul3A_171 : f32 to vector<16xf32>
        %mul3A_173 = arith.mulf %get3A_170, %mul3A_172 : vector<16xf32>
        %swap3A_174 = arith.constant 1 : i32
        %swap3A_175 = arith.index_cast %swap3A_174 : i32 to index
        %swap3A_176 = arith.index_cast %add3A_166 : i32 to index
        %swap3A_177 = tpu.vector_load %arg7[%swap3A_175, %swap3A_176] {strides = array<i32>} : memref<2x2048xf32, #tpu.memory_space<vmem>>, vector<16xf32>,
        tpu.vector_store %arg7[%swap3A_175, %swap3A_176], %mul3A_173 {strides = array<i32>} : memref<2x2048xf32, #tpu.memory_space<vmem>>, vector<16xf32>,
        %mul3A_178 = arith.constant 128 : i32
        %mul3A_179 = arith.muli %scan3A_148, %mul3A_178 : i32
        %add3A_180 = arith.constant 32 : i32
        %add3A_181 = arith.addi %mul3A_179, %add3A_180 : i32
        %get3A_182 = arith.constant 1 : i32
        %get3A_183 = arith.index_cast %get3A_182 : i32 to index
        %get3A_184 = arith.index_cast %add3A_181 : i32 to index
        %get3A_185 = tpu.vector_load %arg7[%get3A_183, %get3A_184] {strides = array<i32>} : memref<2x2048xf32, #tpu.memory_space<vmem>>, vector<16xf32>,
        %mul3A_186 = arith.constant 9.990000e-01 : f32
        %mul3A_187 = vector.broadcast %mul3A_186 : f32 to vector<16xf32>
        %mul3A_188 = arith.mulf %get3A_185, %mul3A_187 : vector<16xf32>
        %swap3A_189 = arith.constant 1 : i32
        %swap3A_190 = arith.index_cast %swap3A_189 : i32 to index
        %swap3A_191 = arith.index_cast %add3A_181 : i32 to index
        %swap3A_192 = tpu.vector_load %arg7[%swap3A_190, %swap3A_191] {strides = array<i32>} : memref<2x2048xf32, #tpu.memory_space<vmem>>, vector<16xf32>,
        tpu.vector_store %arg7[%swap3A_190, %swap3A_191], %mul3A_188 {strides = array<i32>} : memref<2x2048xf32, #tpu.memory_space<vmem>>, vector<16xf32>,
        %mul3A_193 = arith.constant 128 : i32
        %mul3A_194 = arith.muli %scan3A_148, %mul3A_193 : i32
        %add3A_195 = arith.constant 48 : i32
        %add3A_196 = arith.addi %mul3A_194, %add3A_195 : i32
        %get3A_197 = arith.constant 1 : i32
        %get3A_198 = arith.index_cast %get3A_197 : i32 to index
        %get3A_199 = arith.index_cast %add3A_196 : i32 to index
        %get3A_200 = tpu.vector_load %arg7[%get3A_198, %get3A_199] {strides = array<i32>} : memref<2x2048xf32, #tpu.memory_space<vmem>>, vector<16xf32>,
        %mul3A_201 = arith.constant 9.990000e-01 : f32
        %mul3A_202 = vector.broadcast %mul3A_201 : f32 to vector<16xf32>
        %mul3A_203 = arith.mulf %get3A_200, %mul3A_202 : vector<16xf32>
        %swap3A_204 = arith.constant 1 : i32
        %swap3A_205 = arith.index_cast %swap3A_204 : i32 to index
        %swap3A_206 = arith.index_cast %add3A_196 : i32 to index
        %swap3A_207 = tpu.vector_load %arg7[%swap3A_205, %swap3A_206] {strides = array<i32>} : memref<2x2048xf32, #tpu.memory_space<vmem>>, vector<16xf32>,
        tpu.vector_store %arg7[%swap3A_205, %swap3A_206], %mul3A_203 {strides = array<i32>} : memref<2x2048xf32, #tpu.memory_space<vmem>>, vector<16xf32>,
        %mul3A_208 = arith.constant 128 : i32
        %mul3A_209 = arith.muli %scan3A_148, %mul3A_208 : i32
        %add3A_210 = arith.constant 64 : i32
        %add3A_211 = arith.addi %mul3A_209, %add3A_210 : i32
        %get3A_212 = arith.constant 1 : i32
        %get3A_213 = arith.index_cast %get3A_212 : i32 to index
        %get3A_214 = arith.index_cast %add3A_211 : i32 to index
        %get3A_215 = tpu.vector_load %arg7[%get3A_213, %get3A_214] {strides = array<i32>} : memref<2x2048xf32, #tpu.memory_space<vmem>>, vector<16xf32>,
        %mul3A_216 = arith.constant 9.990000e-01 : f32
        %mul3A_217 = vector.broadcast %mul3A_216 : f32 to vector<16xf32>
        %mul3A_218 = arith.mulf %get3A_215, %mul3A_217 : vector<16xf32>
        %swap3A_219 = arith.constant 1 : i32
        %swap3A_220 = arith.index_cast %swap3A_219 : i32 to index
        %swap3A_221 = arith.index_cast %add3A_211 : i32 to index
        %swap3A_222 = tpu.vector_load %arg7[%swap3A_220, %swap3A_221] {strides = array<i32>} : memref<2x2048xf32, #tpu.memory_space<vmem>>, vector<16xf32>,
        tpu.vector_store %arg7[%swap3A_220, %swap3A_221], %mul3A_218 {strides = array<i32>} : memref<2x2048xf32, #tpu.memory_space<vmem>>, vector<16xf32>,
        %mul3A_223 = arith.constant 128 : i32
        %mul3A_224 = arith.muli %scan3A_148, %mul3A_223 : i32
        %add3A_225 = arith.constant 80 : i32
        %add3A_226 = arith.addi %mul3A_224, %add3A_225 : i32
        %get3A_227 = arith.constant 1 : i32
        %get3A_228 = arith.index_cast %get3A_227 : i32 to index
        %get3A_229 = arith.index_cast %add3A_226 : i32 to index
        %get3A_230 = tpu.vector_load %arg7[%get3A_228, %get3A_229] {strides = array<i32>} : memref<2x2048xf32, #tpu.memory_space<vmem>>, vector<16xf32>,
        %mul3A_231 = arith.constant 9.990000e-01 : f32
        %mul3A_232 = vector.broadcast %mul3A_231 : f32 to vector<16xf32>
        %mul3A_233 = arith.mulf %get3A_230, %mul3A_232 : vector<16xf32>
        %swap3A_234 = arith.constant 1 : i32
        %swap3A_235 = arith.index_cast %swap3A_234 : i32 to index
        %swap3A_236 = arith.index_cast %add3A_226 : i32 to index
        %swap3A_237 = tpu.vector_load %arg7[%swap3A_235, %swap3A_236] {strides = array<i32>} : memref<2x2048xf32, #tpu.memory_space<vmem>>, vector<16xf32>,
        tpu.vector_store %arg7[%swap3A_235, %swap3A_236], %mul3A_233 {strides = array<i32>} : memref<2x2048xf32, #tpu.memory_space<vmem>>, vector<16xf32>,
        %mul3A_238 = arith.constant 128 : i32
        %mul3A_239 = arith.muli %scan3A_148, %mul3A_238 : i32
        %add3A_240 = arith.constant 96 : i32
        %add3A_241 = arith.addi %mul3A_239, %add3A_240 : i32
        %get3A_242 = arith.constant 1 : i32
        %get3A_243 = arith.index_cast %get3A_242 : i32 to index
        %get3A_244 = arith.index_cast %add3A_241 : i32 to index
        %get3A_245 = tpu.vector_load %arg7[%get3A_243, %get3A_244] {strides = array<i32>} : memref<2x2048xf32, #tpu.memory_space<vmem>>, vector<16xf32>,
        %mul3A_246 = arith.constant 9.990000e-01 : f32
        %mul3A_247 = vector.broadcast %mul3A_246 : f32 to vector<16xf32>
        %mul3A_248 = arith.mulf %get3A_245, %mul3A_247 : vector<16xf32>
        %swap3A_249 = arith.constant 1 : i32
        %swap3A_250 = arith.index_cast %swap3A_249 : i32 to index
        %swap3A_251 = arith.index_cast %add3A_241 : i32 to index
        %swap3A_252 = tpu.vector_load %arg7[%swap3A_250, %swap3A_251] {strides = array<i32>} : memref<2x2048xf32, #tpu.memory_space<vmem>>, vector<16xf32>,
        tpu.vector_store %arg7[%swap3A_250, %swap3A_251], %mul3A_248 {strides = array<i32>} : memref<2x2048xf32, #tpu.memory_space<vmem>>, vector<16xf32>,
        %mul3A_253 = arith.constant 128 : i32
        %mul3A_254 = arith.muli %scan3A_148, %mul3A_253 : i32
        %add3A_255 = arith.constant 112 : i32
        %add3A_256 = arith.addi %mul3A_254, %add3A_255 : i32
        %get3A_257 = arith.constant 1 : i32
        %get3A_258 = arith.index_cast %get3A_257 : i32 to index
        %get3A_259 = arith.index_cast %add3A_256 : i32 to index
        %get3A_260 = tpu.vector_load %arg7[%get3A_258, %get3A_259] {strides = array<i32>} : memref<2x2048xf32, #tpu.memory_space<vmem>>, vector<16xf32>,
        %mul3A_261 = arith.constant 9.990000e-01 : f32
        %mul3A_262 = vector.broadcast %mul3A_261 : f32 to vector<16xf32>
        %mul3A_263 = arith.mulf %get3A_260, %mul3A_262 : vector<16xf32>
        %swap3A_264 = arith.constant 1 : i32
        %swap3A_265 = arith.index_cast %swap3A_264 : i32 to index
        %swap3A_266 = arith.index_cast %add3A_256 : i32 to index
        %swap3A_267 = tpu.vector_load %arg7[%swap3A_265, %swap3A_266] {strides = array<i32>} : memref<2x2048xf32, #tpu.memory_space<vmem>>, vector<16xf32>,
        tpu.vector_store %arg7[%swap3A_265, %swap3A_266], %mul3A_263 {strides = array<i32>} : memref<2x2048xf32, #tpu.memory_space<vmem>>, vector<16xf32>,
        %scan3A_268 = arith.constant 0 : i32
        scf.yield %scan3A_268 : i32
      }
      %scan3A_137 = arith.constant 16 : i32
      %dma_start3A_138 = arith.constant 1 : i32
      %dma_start3A_139 = arith.constant 0 : i32
      %dma_start3A_140 = tpu.memref_slice %arg7[%dma_start3A_138, %dma_start3A_139] : memref<2x2048xf32, #tpu.memory_space<vmem>> -> memref<1x2048xf32, #tpu.memory_space<vmem>>
      %dma_start3A_141 = tpu.memref_squeeze %dma_start3A_140 : memref<1x2048xf32, #tpu.memory_space<vmem>> -> memref<2048xf32, #tpu.memory_space<vmem>>
      %dma_start3A_142 = tpu.memref_slice %arg4[%add3A_95] : memref<1048576xf32, #tpu.memory_space<hbm>> -> memref<2048xf32, #tpu.memory_space<hbm>>
      %dma_start3A_143 = tpu.memref_slice %arg4[%add3A_95] : memref<1048576xf32, #tpu.memory_space<hbm>> -> memref<2048xf32, #tpu.memory_space<hbm>>
      %dma_start3A_144 = arith.constant 0 : i32
      %dma_start3A_145 = tpu.memref_slice %arg7[%dma_start3A_138, %dma_start3A_144] : memref<2x2048xf32, #tpu.memory_space<vmem>> -> memref<1x2048xf32, #tpu.memory_space<vmem>>
      %dma_start3A_146 = tpu.memref_squeeze %dma_start3A_145 : memref<1x2048xf32, #tpu.memory_space<vmem>> -> memref<2048xf32, #tpu.memory_space<vmem>>
      tpu.enqueue_dma source(%dma_start3A_146 : memref<2048xf32, #tpu.memory_space<vmem>>) target(%dma_start3A_143 : memref<2048xf32, #tpu.memory_space<hbm>>) target_semaphore(%arg10 : memref<!tpu.dma_semaphore, #tpu.memory_space<semaphore_mem>>)
      %scan3A_147 = arith.constant 0 : i32
      scf.yield %scan3A_147 : i32
    }
    %scan3A_17 = arith.constant 8 : i32
    %dma_wait3A = arith.constant 0 : i32
    %dma_wait3A_18 = arith.constant 0 : i32
    %dma_wait3A_19 = tpu.memref_slice %arg7[%dma_wait3A, %dma_wait3A_18] : memref<2x2048xf32, #tpu.memory_space<vmem>> -> memref<1x2048xf32, #tpu.memory_space<vmem>>
    %dma_wait3A_20 = tpu.memref_squeeze %dma_wait3A_19 : memref<1x2048xf32, #tpu.memory_space<vmem>> -> memref<2048xf32, #tpu.memory_space<vmem>>
    %dma_wait3A_21 = tpu.memref_slice %arg4[%mul3A_2] : memref<1048576xf32, #tpu.memory_space<hbm>> -> memref<2048xf32, #tpu.memory_space<hbm>>
    %dma_wait3A_22 = tpu.memref_slice %arg4[%mul3A_2] : memref<1048576xf32, #tpu.memory_space<hbm>> -> memref<2048xf32, #tpu.memory_space<hbm>>
    %dma_wait3A_23 = arith.constant 0 : i32
    %dma_wait3A_24 = tpu.memref_slice %arg7[%dma_wait3A, %dma_wait3A_23] : memref<2x2048xf32, #tpu.memory_space<vmem>> -> memref<1x2048xf32, #tpu.memory_space<vmem>>
    %dma_wait3A_25 = tpu.memref_squeeze %dma_wait3A_24 : memref<1x2048xf32, #tpu.memory_space<vmem>> -> memref<2048xf32, #tpu.memory_space<vmem>>
    tpu.wait_dma2 semaphore(%arg10 : memref<!tpu.dma_semaphore, #tpu.memory_space<semaphore_mem>>) src(%dma_wait3A_25 : memref<2048xf32, #tpu.memory_space<vmem>>) dst(%dma_wait3A_22 : memref<2048xf32, #tpu.memory_space<hbm>>)
    %dma_wait3A_26 = arith.constant 1 : i32
    %dma_wait3A_27 = arith.constant 0 : i32
    %dma_wait3A_28 = tpu.memref_slice %arg7[%dma_wait3A_26, %dma_wait3A_27] : memref<2x2048xf32, #tpu.memory_space<vmem>> -> memref<1x2048xf32, #tpu.memory_space<vmem>>
    %dma_wait3A_29 = tpu.memref_squeeze %dma_wait3A_28 : memref<1x2048xf32, #tpu.memory_space<vmem>> -> memref<2048xf32, #tpu.memory_space<vmem>>
    %dma_wait3A_30 = tpu.memref_slice %arg4[%mul3A_2] : memref<1048576xf32, #tpu.memory_space<hbm>> -> memref<2048xf32, #tpu.memory_space<hbm>>
    %dma_wait3A_31 = tpu.memref_slice %arg4[%mul3A_2] : memref<1048576xf32, #tpu.memory_space<hbm>> -> memref<2048xf32, #tpu.memory_space<hbm>>
    %dma_wait3A_32 = arith.constant 0 : i32
    %dma_wait3A_33 = tpu.memref_slice %arg7[%dma_wait3A_26, %dma_wait3A_32] : memref<2x2048xf32, #tpu.memory_space<vmem>> -> memref<1x2048xf32, #tpu.memory_space<vmem>>
    %dma_wait3A_34 = tpu.memref_squeeze %dma_wait3A_33 : memref<1x2048xf32, #tpu.memory_space<vmem>> -> memref<2048xf32, #tpu.memory_space<vmem>>
    tpu.wait_dma2 semaphore(%arg10 : memref<!tpu.dma_semaphore, #tpu.memory_space<semaphore_mem>>) src(%dma_wait3A_34 : memref<2048xf32, #tpu.memory_space<vmem>>) dst(%dma_wait3A_31 : memref<2048xf32, #tpu.memory_space<hbm>>)
    return
  }
}

</mosaic_0001>

<sc_bundles>
// kernel: kernel.3.cloned.1.call-start
scs
__scs_entry_jumppad:
0x0: {  	(pc) =	sbr.rel $0x88, $3  }
0x1: {  	(tag) =	ssettag $0x0;
	lr =	simm.s32 $0x1  }
0x2: {  	[smem:$0x3F9F] =	sst lr;
	_ =	strace $0xD0000000  }
0x3: {  	_ = 	snop  }
0x4: {  	_ = 	snop  }
0x5: {  	_ = 	snop  }
0x6: {  	_ = 	snop  }
0x7: {  	_ = 	snop  }
__scs_overlays_trampoline_lowered:
0x8: {  	[smem:$0x3FAE] =	sst s0  }
0x9: {  	[smem:$0x3FAF] =	sst s1  }
0xa: {  	[smem:$0x3FB0] =	sst s2  }
0xb: {  	[smem:$0x3FB1] =	sst s3  }
0xc: {  	[smem:$0x3FB2] =	sst s4  }
0xd: {  	[smem:$0x3FB3] =	sst s5  }
0xe: {  	[smem:$0x3FB4] =	sst s6  }
0xf: {  	[smem:$0x3FB5] =	sst s7  }
0x10: {  	[smem:$0x3FB6] =	sst s8  }
0x11: {  	[smem:$0x3FB7] =	sst s9;
	s0 =	simm.s32 @!p0 $0x0  }
0x12: {  	s1 =	sld [smem:$0x3F9D];
	s0 =	simm.s32 @p0 $0x1  }
0x13: {  	[smem:$0x3FB8] =	sst s0;
	s0 =	simm.s32 @!p1 $0x0  }
0x14: {  	s2 =	sld [smem:$0x3F9C];
	s0 =	simm.s32 @p1 $0x1  }
0x15: {  	[smem:$0x3FB9] =	sst s0;
	s0 =	simm.s32 @!p2 $0x0  }
0x16: {  	s3 =	sld [smem:$0x3FDB];
	s0 =	simm.s32 @p2 $0x1  }
0x17: {  	s4 =	simm.s32 $0x1BF5;
	[smem:$0x3FBB] =	sst s0  }
0x18: {  	s0 =	sld [smem:$0x3F9E];
	_ =	swait.ge [sflag:s4], $0x0  }
0x19: {  	s7 =	sld [smem:$0x3F9F]  }
0x1a: {  	s8 =	sadd.s32 $0xFFFFE003, lr  }
0x1b: {  	s9 =	sadd.s32 $0xFFFFFEF7, lr;
	s5 =	simm.s32 $0xFFFFFFFF;
	p2 =	slt.u32 s8, $0xFFFFF086  }
0x1c: {  	p1 =	slt.u32 s9, $0xF7A;
	s5 =	simm.s32 @!p2 $0x0  }
0x1d: {  	s5 =	simm.s32 @p1 $0x1;
	p0 =	seq.s32 s7, s2  }
0x1e: {  	s7 =	smul.u32 @!p0 $0xF7A, s2;
	p2 =	seq.s32 @!p0 s5, $0x0  }
0x1f: {  	s9 =	smul.u32 $0xF7A, s1;
	s8 =	simm.s32 @!p0 $0x1BF5;
	p2 =	por !p2, p0  }
0x20: {  	[sflag:s8] =	ssyncset.s32 @!p0 $0xFFFFF086;
	s6 =	sadd.s32 @!p0 s3, s7;
	s7 =	simm.s32 @!p0 $0x108  }
0x21: {  	s3 =	sadd.s32 s3, s9;
	s6 =	sadd.s32 @!p0 $0x88, s6;
	s7 =	simm.s32 @p2 $0x1082  }
0x22: {  	[simem:s7], [sflag:s8] =	dma.local @!p0 [hbm:s6], $0xF7A  }
0x23: {  	s9 =	sor.u32 $0xD0000000, s2;
	s6 =	simm.s32 $0x108;
	_ =	swait.ge @!p0 [sflag:s8], $0x0  }
0x24: {  	s3 =	sadd.s32 $0x88, s3;
	s6 =	simm.s32 @!p1 $0x1082;
	[sflag:s4] =	ssyncset.s32 $0xFFFFF086  }
0x25: {  	[simem:s6], [sflag:s4] =	dma.local [hbm:s3], $0xF7A  }
0x26: {  	[smem:$0x3F9F] =	sst s1;
	(tag) =	ssettag s2;
	_ =	strace s9  }
0x27: {  	s1 =	sld [smem:$0x3FAF]  }
0x28: {  	s2 =	sld [smem:$0x3FB0]  }
0x29: {  	s4 =	sld [smem:$0x3FB2]  }
0x2a: {  	p0 =	seq.s32 s5, $0x0;
	s5 =	sld [smem:$0x3FB3]  }
0x2b: {  	s6 =	sld [smem:$0x3FB4]  }
0x2c: {  	s7 =	sld [smem:$0x3FB5]  }
0x2d: {  	s3 =	simm.s32 $0x108;
	s8 =	sld [smem:$0x3FB6]  }
0x2e: {  	s3 =	simm.s32 @!p0 $0x1082;
	s9 =	sld [smem:$0x3FB7]  }
0x2f: {  	lr =	sadd.s32 s0, s3;
	s0 =	sld [smem:$0x3FAE]  }
0x30: {  	s3 =	sld [smem:$0x3FB1]  }
0x31: {  	[smem:$0x3FBA] =	sst s10  }
0x32: {  	s10 =	sld [smem:$0x3FB8];
	_ =	sdelay $0x3  }
0x33: {  	p0 =	seq.s32 s10, $0x1;
	s10 =	sld [smem:$0x3FBA];
	_ =	sdelay $0x3  }
0x34: {  	[smem:$0x3FBA] =	sst s10  }
0x35: {  	s10 =	sld [smem:$0x3FB9];
	_ =	sdelay $0x3  }
0x36: {  	p1 =	seq.s32 s10, $0x1;
	s10 =	sld [smem:$0x3FBA];
	_ =	sdelay $0x3  }
0x37: {  	[smem:$0x3FBA] =	sst s10  }
0x38: {  	s10 =	sld [smem:$0x3FBB]  }
0x39: {  	_ = 	snop;
	(pc) =	sbr.ind lr, $3  }
0x3a: {  	_ = 	snop  }
0x3b: {  	_ = 	snop  }
0x3c: {  	p2 =	seq.s32 s10, $0x1;
	s10 =	sld [smem:$0x3FBA]  }
0x3d: {  	_ =	shalt  }
0x3e: {  	_ =	shalt  }
0x3f: {  	_ =	shalt  }
0x40: {  	_ =	shalt  }
0x41: {  	_ =	shalt  }
0x42: {  	_ =	shalt  }
0x43: {  	_ =	shalt  }
0x44: {  	_ =	shalt  }
0x45: {  	_ =	shalt  }
0x46: {  	_ =	shalt  }
0x47: {  	_ =	shalt  }
0x48: {  	_ =	shalt  }
0x49: {  	_ =	shalt  }
0x4a: {  	_ =	shalt  }
0x4b: {  	_ =	shalt  }
0x4c: {  	_ =	shalt  }
0x4d: {  	_ =	shalt  }
0x4e: {  	_ =	shalt  }
0x4f: {  	_ =	shalt  }
0x50: {  	_ =	shalt  }
0x51: {  	_ =	shalt  }
0x52: {  	_ =	shalt  }
0x53: {  	_ =	shalt  }
0x54: {  	_ =	shalt  }
0x55: {  	_ =	shalt  }
0x56: {  	_ =	shalt  }
0x57: {  	_ =	shalt  }
0x58: {  	_ =	shalt  }
0x59: {  	_ =	shalt  }
0x5a: {  	_ =	shalt  }
0x5b: {  	_ =	shalt  }
0x5c: {  	_ =	shalt  }
0x5d: {  	_ =	shalt  }
0x5e: {  	_ =	shalt  }
0x5f: {  	_ =	shalt  }
0x60: {  	_ =	shalt  }
0x61: {  	_ =	shalt  }
0x62: {  	_ =	shalt  }
0x63: {  	_ =	shalt  }
0x64: {  	_ =	shalt  }
0x65: {  	_ =	shalt  }
0x66: {  	_ =	shalt  }
0x67: {  	_ =	shalt  }
0x68: {  	_ =	shalt  }
0x69: {  	_ =	shalt  }
0x6a: {  	_ =	shalt  }
0x6b: {  	_ =	shalt  }
0x6c: {  	_ =	shalt  }
0x6d: {  	_ =	shalt  }
0x6e: {  	_ =	shalt  }
0x6f: {  	_ =	shalt  }
0x70: {  	_ =	shalt  }
0x71: {  	_ =	shalt  }
0x72: {  	_ =	shalt  }
0x73: {  	_ =	shalt  }
0x74: {  	_ =	shalt  }
0x75: {  	_ =	shalt  }
0x76: {  	_ =	shalt  }
0x77: {  	_ =	shalt  }
0x78: {  	_ =	shalt  }
0x79: {  	_ =	shalt  }
0x7a: {  	_ =	shalt  }
0x7b: {  	_ =	shalt  }
0x7c: {  	_ =	shalt  }
0x7d: {  	_ =	shalt  }
0x7e: {  	_ =	shalt  }
0x7f: {  	_ =	shalt  }
0x80: {  	_ =	shalt  }
0x81: {  	_ =	shalt  }
0x82: {  	_ =	shalt  }
0x83: {  	_ =	shalt  }
0x84: {  	_ =	shalt  }
0x85: {  	_ =	shalt  }
0x86: {  	_ =	shalt  }
0x87: {  	_ =	shalt  }
.Lfunc_end0:
.L_simem_size_0:
called_computation_lowered:
.L_overlay_start_0:
0x88: {  	s2 =	sld [smem:$0x3FD9]  }
0x89: {  	s3 =	sld [smem:$0x3FFE];
	_ =	sdelay $0x1  }
0x8a: {  	s1 =	srdreg.scid  }
0x8b: {  	s0 =	sand.u32 $0x1, s1  }
0x8c: {  	s17 =	sshll.u32 s0, $0xA;
	s2 =	sadd.s32 s3, s2  }
0x8d: {  	s2 =	sadd.s32 s2, s17  }
0x8e: {  	[smem:$0x3FC6] =	sst s2  }
0x8f: {  	_ = 	snop  }
0x90: {  	s2 =	sld [smem:$0x3FD0];
	(tm) =	ssettm $0x1  }
0x91: {  	s18 =	sld [smem:$0x3FFB];
	_ =	sdelay $0x3  }
0x92: {  	_ =	strace s18  }
0x93: {  	s3 =	sld [smem:$0x3FFC];
	_ =	sdelay $0x3  }
0x94: {  	_ =	strace s3  }
0x95: {  	s3 =	sld [smem:$0x3FFD];
	_ =	sdelay $0x3  }
0x96: {  	_ =	strace s3  }
0x97: {  	_ =	strace $0x8FFFFFFF  }
0x98: {  	s19 =	sld [smem:$0x3FDB];
	_ =	sdelay $0x1  }
0x99: {  	s4 =	simm.s32 $_scs_section_size  }
0x9a: {  	s5 =	simm.s32 $_size__tile_overlayer_lowered;
	s6 =	simm.s32 $_tile_overlayer_lowered  }
0x9b: {  	s22 =	simm.s32 $0x1BFF;
	s21 =	sshll.u32 s6, $0x1;
	s3 =	sadd.s32 s4, s19  }
0x9c: {  	s7 =	simm.s32 $0x0;
	s20 =	sshll.u32 s5, $0x1;
	s5 =	sadd.s32 s21, s3  }
0x9d: {  	[timem:s7], [sflag:s22] =	dma.local [hbm:s5], s20  }
0x9e: {  	_ =	swait.ge [sflag:s22], s20  }
0x9f: {  	s4 =	ssub.s32 $0x0, s20;
	[sflag:s22] =	ssyncset.done $0x0  }
0xa0: {  	[sflag:s22] =	ssyncadd.s32 s4;
	_ =	sdelay $0x1  }
0xa1: {  	s23 =	simm.s32 $0x1B8B  }
0xa2: {  	_ =	swait.ge [sflag:s23], $0x1  }
0xa3: {  	[sflag:s23] =	ssyncset.done $0x0  }
0xa4: {  	s25 =	simm.s32 $0x1B8E;
	s24 =	sld [smem:$0x3FFE];
	[sflag:s23] =	ssyncadd.s32 $0xFFFFFFFF  }
0xa5: {  	s26 =	simm.s32 $execute0_lowered;
	[smem:$0x3FD2] =	sst s25  }
0xa6: {  	s5 =	sshll.u32 s26, $0x1;
	_ =	strace $0x80000046;
	[dreg:$0x1] =	wrdreg $0xFFFFFFFF  }
0xa7: {  	s28 =	simm.s32 $_size_execute0_lowered;
	s3 =	sadd.s32 s3, s5;
	[dreg:$0x0] =	wrdreg $0x0  }
0xa8: {  	s5 =	sshll.u32 s28, $0x1;
	[dreg:$0x2] =	wrdreg s3  }
0xa9: {  	[dreg:$0x3] =	wrdreg s5  }
0xaa: {  	[dreg:$0x4] =	wrdreg $0xC0  }
0xab: {  	_ =	task [dreg:s7], $0x5FFFF  }
0xac: {  	[dreg:$0x1] =	wrdreg $0xFFFFFFFF  }
0xad: {  	[dreg:$0x0] =	wrdreg $0x60  }
0xae: {  	[dreg:$0x2] =	wrdreg s24  }
0xaf: {  	[dreg:$0x3] =	wrdreg s2  }
0xb0: {  	[dreg:$0x4] =	wrdreg $0x9  }
0xb1: {  	_ =	task.clear_ibuf [dreg:s7], $0x5FFFF;
	_ =	strace $0x90000046  }
0xb2: {  	s29 =	simm.s32 $0x9;
	_ =	strace $0x80000048  }
0xb3: {  	_ =	swait.ge [sflag:s29], $0x1  }
0xb4: {  	[sflag:s29] =	ssyncadd.s32 $0xFFFFFFFF  }
0xb5: {  	_ =	strace $0x90000048  }
0xb6: {  	_ =	sfence  }
0xb7: {  	s30 =	sld [smem:$0x0];
	_ =	sdelay $0x2  }
0xb8: {  	s31 =	sshll.u32 s1, $0xD;
	s1 =	sshrl.u32 s1, $0x2  }
0xb9: {  	s3 =	sand.u32 $0x4000, s31;
	s1 =	sadd.s32 s1, s30  }
0xba: {  	s0 =	sor.u32 s3, s0;
	s1 =	sshll.u32 s1, $0x11  }
0xbb: {  	s0 =	sor.u32 s1, s0  }
0xbc: {  	s0 =	sadd.s32 $0x8F2B, s0  }
0xbd: {  	[sflag:s0] =	ssyncadd.remote.s32 $0x1  }
0xbe: {  	_ =	sfence.sel $0xFFFF  }
0xbf: {  	[dreg:$0x0] =	wrdreg $0xFFFFFFFF;
	(pc) =	sbr.abs _section_cstart, $3  }
0xc0: {  	[dreg:$0x1] =	wrdreg $0xFFFFFFFF  }
0xc1: {  	_ =	task.clear_ibuf [dreg:s7], $0x2FFFF;
	_ =	strace $0x9FFFFFFF  }
0xc2: {  	(tm) =	ssettm $0x7FFFFFFF  }
0xc3: {  	_ =	shalt  }
tec
execute0_lowered:
.L_overlay_start_1:
0x0: {  	(tag) =	ssettag $0x1  }
0x1: {  	s0 =	rddreg [dreg:$0x0]  }
0x2: {  	s1 =	rddreg [dreg:$0x1];
	s3 =	simm.s32 $0x0;
	s2 =	srdreg.scid  }
0x3: {  	s4 =	stileid.u32;
	s11 =	simm.s32 $0x1;
	s13 =	simm.s32 $0x80  }
0x4: {  	s14 =	simm.s32 $0x2;
	s23 =	simm.s32 $0x2D80;
	s24 =	simm.s32 $0x2E80  }
0x5: {  	s25 =	simm.s32 $0x2F80;
	s26 =	simm.s32 $0x3;
	s2 =	sand.u32 $0x1, s2  }
0x6: {  	s6 =	sshll.u32 s4, $0x10;
	s5 =	ssub.s32 $0x2, s2;
	s2 =	sshll.u32 s2, $0xF  }
0x7: {  	[smem:$0x7FF] =	sst s3;
	s4 =	sadd.s32 $0x400, s0;
	s28 =	sor.u32 s2, s6  }
0x8: {  	_ =	strace $0x80000047;
	s7 =	sshrl.u32 s5, $0x1;
	s2 =	sshrl.u32 s28, $0x3  }
0x9: {  	s6 =	sadd.s32 $0x1000400, s0;
	s31 =	ssub.s32 s5, s7;
	s2 =	sadd.s32 s4, s2  }
0xa: {  	v0 =	vlaneseq.u32;
	s8 =	sor.u32 $0x800, s28;
	s0 =	smax.u32 s31, $0x1;
	[dreg:$0x3] =	wrdreg s2  }
0xb: {  	v0 =	vmul.u32 $0x20, v0;
	s9 =	sor.u32 $0x1000, s28;
	[dreg:$0x4] =	wrdreg s0;
	s2 =	simm.s32 $0x0  }
.LBB2_1:
0xc: {  	[dreg:$0x5] =	wrdreg s2  }
0xd: {  	s0 =	rddreg [dreg:$0x3];
	s5 =	smov.u32 s28;
	s29 =	simm.s32 $0x0  }
0xe: {  	[tilespmem:s3], [sflag:$0x1] =	stream.linear.gather [hbm4b:s0+s3], $0x800, $0x38;
	[tilespmem:$0x3000] =	vst v63  }
.LBB2_2:
0xf: {  	s31 =	sshll.u32 s29, $0xC  }
0x10: {  	_ =	swait.ge [sflag:s11], $0x800;
	s0 =	sadd.s32 s8, s31  }
0x11: {  	s2 =	simm.s32 $0x800;
	[sflag:s11] =	ssyncset.done $0x0;
	s30 =	sshrl.u32 s0, $0x3  }
0x12: {  	p0 =	seq.s32 s29, $0x0;
	[sflag:s11] =	ssyncadd.s32 $0xFFFFF800;
	s0 =	sadd.s32 s4, s30  }
0x13: {  	[tilespmem:s2], [sflag:$0x1] =	stream.linear.gather [hbm4b:s0+s3], $0x800, $0x38;
	[tilespmem:$0x3000] =	vst v63  }
0x14: {  	s0 =	simm.s32 @!p0 $0x3  }
0x15: {  	_ =	swait.ge @!p0 [sflag:s0], $0x800  }
0x16: {  	[sflag:s0] =	ssyncset.done @!p0 $0x0  }
0x17: {  	s16 =	simm.s32 $0x40;
	[sflag:s0] =	ssyncadd.s32 @!p0 $0xFFFFF800  }
0x18: {  	v1 =	vld [tilespmem:s16+$0xFFFFFFC0];
	_ =	sdelay $0x4  }
0x19: {  	v1 =	vmul.f32 $3.200000000e+01, v1;
	_ =	sdelay $0x1  }
0x1a: {  	v1 =	vtrunc.f32 v1  }
0x1b: {  	v1 =	vcvt.f32.s32 v1  }
0x1c: {  	s7 =	sadd.s32 $0x0, s5  }
0x1d: {  	v2 =	vmov s7;
	vm0 =	vgt.s32 v1, $0x0  }
0x1e: {  	v2 =	vshll.u32 v2, $0x5;
	v1 =	vnsel vm0, $0x0, v1  }
0x1f: {  	v2 =	vor.u32 v0, v2;
	v1 =	vmin.u32 v1, $0x1F  }
0x20: {  	s2 =	simm.s32 $0x1000;
	v1 =	vor.u32 v2, v1  }
0x21: {  	[tilespmem:s2+$0x0] =	vst v1  }
0x22: {  	v1 =	vld [tilespmem:s16+$0xFFFFFFD0];
	_ =	sdelay $0x4  }
0x23: {  	v1 =	vmul.f32 $3.200000000e+01, v1;
	_ =	sdelay $0x1  }
0x24: {  	v1 =	vtrunc.f32 v1  }
0x25: {  	v1 =	vcvt.f32.s32 v1  }
0x26: {  	s10 =	sadd.s32 $0x10, s7  }
0x27: {  	v2 =	vmov s10;
	vm9 =	vgt.s32 v1, $0x0  }
0x28: {  	v2 =	vshll.u32 v2, $0x5;
	v1 =	vnsel vm9, $0x0, v1  }
0x29: {  	v2 =	vor.u32 v0, v2;
	v1 =	vmin.u32 v1, $0x1F  }
0x2a: {  	v1 =	vor.u32 v2, v1  }
0x2b: {  	[tilespmem:s2+$0x10] =	vst v1  }
0x2c: {  	v1 =	vld [tilespmem:s16+$0xFFFFFFE0];
	_ =	sdelay $0x4  }
0x2d: {  	v1 =	vmul.f32 $3.200000000e+01, v1;
	_ =	sdelay $0x1  }
0x2e: {  	v1 =	vtrunc.f32 v1  }
0x2f: {  	v1 =	vcvt.f32.s32 v1  }
0x30: {  	s17 =	sadd.s32 $0x20, s7  }
0x31: {  	v2 =	vmov s17;
	vm10 =	vgt.s32 v1, $0x0  }
0x32: {  	v2 =	vshll.u32 v2, $0x5;
	v1 =	vnsel vm10, $0x0, v1  }
0x33: {  	v2 =	vor.u32 v0, v2;
	v1 =	vmin.u32 v1, $0x1F  }
0x34: {  	v1 =	vor.u32 v2, v1  }
0x35: {  	[tilespmem:s2+$0x20] =	vst v1  }
0x36: {  	v1 =	vld [tilespmem:s16+$0xFFFFFFF0];
	_ =	sdelay $0x4  }
0x37: {  	v1 =	vmul.f32 $3.200000000e+01, v1;
	_ =	sdelay $0x1  }
0x38: {  	v1 =	vtrunc.f32 v1  }
0x39: {  	v1 =	vcvt.f32.s32 v1  }
0x3a: {  	s18 =	sadd.s32 $0x30, s7  }
0x3b: {  	v2 =	vmov s18;
	vm11 =	vgt.s32 v1, $0x0  }
0x3c: {  	v2 =	vshll.u32 v2, $0x5;
	v1 =	vnsel vm11, $0x0, v1  }
0x3d: {  	v2 =	vor.u32 v0, v2;
	v1 =	vmin.u32 v1, $0x1F  }
0x3e: {  	v1 =	vor.u32 v2, v1  }
0x3f: {  	[tilespmem:s2+$0x30] =	vst v1  }
0x40: {  	v1 =	vld [tilespmem:s16+$0x0];
	_ =	sdelay $0x4  }
0x41: {  	v1 =	vmul.f32 $3.200000000e+01, v1;
	_ =	sdelay $0x1  }
0x42: {  	v1 =	vtrunc.f32 v1  }
0x43: {  	v1 =	vcvt.f32.s32 v1  }
0x44: {  	s19 =	sadd.s32 $0x40, s7  }
0x45: {  	v2 =	vmov s19;
	vm12 =	vgt.s32 v1, $0x0  }
0x46: {  	v2 =	vshll.u32 v2, $0x5;
	v1 =	vnsel vm12, $0x0, v1  }
0x47: {  	v2 =	vor.u32 v0, v2;
	v1 =	vmin.u32 v1, $0x1F  }
0x48: {  	v1 =	vor.u32 v2, v1  }
0x49: {  	[tilespmem:s2+$0x40] =	vst v1  }
0x4a: {  	v1 =	vld [tilespmem:s16+$0x10];
	_ =	sdelay $0x4  }
0x4b: {  	v1 =	vmul.f32 $3.200000000e+01, v1;
	_ =	sdelay $0x1  }
0x4c: {  	v1 =	vtrunc.f32 v1  }
0x4d: {  	v1 =	vcvt.f32.s32 v1  }
0x4e: {  	s20 =	sadd.s32 $0x50, s7  }
0x4f: {  	v2 =	vmov s20;
	vm13 =	vgt.s32 v1, $0x0  }
0x50: {  	v2 =	vshll.u32 v2, $0x5;
	v1 =	vnsel vm13, $0x0, v1  }
0x51: {  	v2 =	vor.u32 v0, v2;
	v1 =	vmin.u32 v1, $0x1F  }
0x52: {  	v1 =	vor.u32 v2, v1  }
0x53: {  	[tilespmem:s2+$0x50] =	vst v1  }
0x54: {  	v1 =	vld [tilespmem:s16+$0x20];
	_ =	sdelay $0x4  }
0x55: {  	v1 =	vmul.f32 $3.200000000e+01, v1;
	_ =	sdelay $0x1  }
0x56: {  	v1 =	vtrunc.f32 v1  }
0x57: {  	v1 =	vcvt.f32.s32 v1  }
0x58: {  	s21 =	sadd.s32 $0x60, s7  }
0x59: {  	v2 =	vmov s21;
	vm14 =	vgt.s32 v1, $0x0  }
0x5a: {  	v2 =	vshll.u32 v2, $0x5;
	v1 =	vnsel vm14, $0x0, v1  }
0x5b: {  	v2 =	vor.u32 v0, v2;
	v1 =	vmin.u32 v1, $0x1F  }
0x5c: {  	v1 =	vor.u32 v2, v1  }
0x5d: {  	[tilespmem:s2+$0x60] =	vst v1  }
0x5e: {  	v1 =	vld [tilespmem:s16+$0x30];
	_ =	sdelay $0x4  }
0x5f: {  	v1 =	vmul.f32 $3.200000000e+01, v1;
	_ =	sdelay $0x1  }
0x60: {  	v1 =	vtrunc.f32 v1  }
0x61: {  	v1 =	vcvt.f32.s32 v1  }
0x62: {  	s22 =	sadd.s32 $0x70, s7  }
0x63: {  	v2 =	vmov s22;
	vm15 =	vgt.s32 v1, $0x0  }
0x64: {  	v2 =	vshll.u32 v2, $0x5;
	v1 =	vnsel vm15, $0x0, v1  }
0x65: {  	v2 =	vor.u32 v0, v2;
	v1 =	vmin.u32 v1, $0x1F  }
0x66: {  	s15 =	simm.s32 $0x2000;
	s12 =	simm.s32 $0x1080;
	s7 =	simm.s32 $0x80;
	v1 =	vor.u32 v2, v1  }
0x67: {  	s0 =	sor.u32 s28, s31;
	s10 =	simm.s32 $0x2100;
	s16 =	simm.s32 $0xC0;
	[tilespmem:s2+$0x70] =	vst v1  }
.LBB2_3:
0x68: {  	[tilespmem:s15], [sflag:$0x2] =	stream.indirect.gather [hbm4b:s6+s13], $0x1, s2, s13, $0xb8;
	[tilespmem:$0x3000] =	vst v63  }
0x69: {  	p0 =	sne.s32 s7, $0x780;
	s17 =	smov.u32 s7;
	s7 =	sadd.s32 $0x80, s7;
	v1 =	vld [tilespmem:s16+$0xFFFFFFC0]  }
0x6a: {  	s15 =	smov.u32 s10;
	s2 =	smov.u32 s12;
	_ =	sdelay $0x3  }
0x6b: {  	v1 =	vmul.f32 $3.200000000e+01, v1;
	_ =	sdelay $0x1  }
0x6c: {  	v1 =	vtrunc.f32 v1  }
0x6d: {  	v1 =	vcvt.f32.s32 v1  }
0x6e: {  	s17 =	sadd.s32 s17, s5  }
0x6f: {  	v2 =	vmov s17;
	s18 =	sadd.s32 $0x10, s17;
	s19 =	sadd.s32 $0x20, s17;
	s20 =	sadd.s32 $0x30, s17;
	vm0 =	vgt.s32 v1, $0x0  }
0x70: {  	s21 =	sadd.s32 $0x50, s17;
	s22 =	sadd.s32 $0x60, s17;
	v2 =	vshll.u32 v2, $0x5;
	v3 =	vmov s18;
	s18 =	sadd.s32 $0x40, s17;
	v1 =	vnsel vm0, $0x0, v1  }
0x71: {  	s17 =	sadd.s32 $0x70, s17;
	v2 =	vor.u32 v0, v2;
	v3 =	vshll.u32 v3, $0x5;
	v1 =	vmin.u32 v1, $0x1F  }
0x72: {  	v4 =	vmov s20;
	v1 =	vor.u32 v2, v1;
	v2 =	vmov s19  }
0x73: {  	v4 =	vshll.u32 v4, $0x5;
	[tilespmem:s12+$0x0] =	vst v1;
	v5 =	vshll.u32 v2, $0x5;
	v1 =	vmov s18  }
0x74: {  	v2 =	vmov s22;
	v6 =	vld [tilespmem:s16+$0xFFFFFFD0];
	v7 =	vshll.u32 v1, $0x5;
	v1 =	vmov s21  }
0x75: {  	v2 =	vshll.u32 v2, $0x5;
	v8 =	vshll.u32 v1, $0x5;
	v1 =	vmov s17  }
0x76: {  	v1 =	vshll.u32 v1, $0x5;
	_ =	sdelay $0x2  }
0x77: {  	v6 =	vmul.f32 $3.200000000e+01, v6;
	_ =	sdelay $0x1  }
0x78: {  	v6 =	vtrunc.f32 v6  }
0x79: {  	v6 =	vcvt.f32.s32 v6;
	_ =	sdelay $0x1  }
0x7a: {  	vm0 =	vgt.s32 v6, $0x0  }
0x7b: {  	v6 =	vnsel vm0, $0x0, v6  }
0x7c: {  	v3 =	vor.u32 v0, v3;
	v6 =	vmin.u32 v6, $0x1F  }
0x7d: {  	v3 =	vor.u32 v3, v6  }
0x7e: {  	[tilespmem:s12+$0x10] =	vst v3  }
0x7f: {  	v3 =	vld [tilespmem:s16+$0xFFFFFFE0];
	_ =	sdelay $0x4  }
0x80: {  	v3 =	vmul.f32 $3.200000000e+01, v3;
	_ =	sdelay $0x1  }
0x81: {  	v3 =	vtrunc.f32 v3  }
0x82: {  	v3 =	vcvt.f32.s32 v3;
	_ =	sdelay $0x1  }
0x83: {  	vm0 =	vgt.s32 v3, $0x0  }
0x84: {  	v3 =	vnsel vm0, $0x0, v3  }
0x85: {  	v5 =	vor.u32 v0, v5;
	v3 =	vmin.u32 v3, $0x1F  }
0x86: {  	v3 =	vor.u32 v5, v3  }
0x87: {  	[tilespmem:s12+$0x20] =	vst v3  }
0x88: {  	v3 =	vld [tilespmem:s16+$0xFFFFFFF0];
	_ =	sdelay $0x4  }
0x89: {  	v3 =	vmul.f32 $3.200000000e+01, v3;
	_ =	sdelay $0x1  }
0x8a: {  	v3 =	vtrunc.f32 v3  }
0x8b: {  	v3 =	vcvt.f32.s32 v3;
	_ =	sdelay $0x1  }
0x8c: {  	vm0 =	vgt.s32 v3, $0x0  }
0x8d: {  	v3 =	vnsel vm0, $0x0, v3  }
0x8e: {  	v4 =	vor.u32 v0, v4;
	v3 =	vmin.u32 v3, $0x1F  }
0x8f: {  	v3 =	vor.u32 v4, v3  }
0x90: {  	[tilespmem:s12+$0x30] =	vst v3  }
0x91: {  	v3 =	vld [tilespmem:s16+$0x0];
	_ =	sdelay $0x4  }
0x92: {  	v3 =	vmul.f32 $3.200000000e+01, v3;
	_ =	sdelay $0x1  }
0x93: {  	v3 =	vtrunc.f32 v3  }
0x94: {  	v3 =	vcvt.f32.s32 v3;
	_ =	sdelay $0x1  }
0x95: {  	vm0 =	vgt.s32 v3, $0x0  }
0x96: {  	v3 =	vnsel vm0, $0x0, v3  }
0x97: {  	v4 =	vor.u32 v0, v7;
	v3 =	vmin.u32 v3, $0x1F  }
0x98: {  	v3 =	vor.u32 v4, v3  }
0x99: {  	[tilespmem:s12+$0x40] =	vst v3  }
0x9a: {  	v3 =	vld [tilespmem:s16+$0x10];
	_ =	sdelay $0x4  }
0x9b: {  	v3 =	vmul.f32 $3.200000000e+01, v3;
	_ =	sdelay $0x1  }
0x9c: {  	v3 =	vtrunc.f32 v3  }
0x9d: {  	v3 =	vcvt.f32.s32 v3;
	_ =	sdelay $0x1  }
0x9e: {  	vm0 =	vgt.s32 v3, $0x0  }
0x9f: {  	v3 =	vnsel vm0, $0x0, v3  }
0xa0: {  	v4 =	vor.u32 v0, v8;
	v3 =	vmin.u32 v3, $0x1F  }
0xa1: {  	v3 =	vor.u32 v4, v3  }
0xa2: {  	[tilespmem:s12+$0x50] =	vst v3  }
0xa3: {  	v3 =	vld [tilespmem:s16+$0x20];
	_ =	sdelay $0x4  }
0xa4: {  	v3 =	vmul.f32 $3.200000000e+01, v3;
	_ =	sdelay $0x1  }
0xa5: {  	v3 =	vtrunc.f32 v3  }
0xa6: {  	v3 =	vcvt.f32.s32 v3;
	_ =	sdelay $0x1  }
0xa7: {  	vm0 =	vgt.s32 v3, $0x0  }
0xa8: {  	v3 =	vnsel vm0, $0x0, v3  }
0xa9: {  	v2 =	vor.u32 v0, v2;
	v3 =	vmin.u32 v3, $0x1F  }
0xaa: {  	v2 =	vor.u32 v2, v3  }
0xab: {  	[tilespmem:s12+$0x60] =	vst v2  }
0xac: {  	v2 =	vld [tilespmem:s16+$0x30];
	_ =	sdelay $0x4  }
0xad: {  	v2 =	vmul.f32 $3.200000000e+01, v2;
	_ =	sdelay $0x1  }
0xae: {  	v2 =	vtrunc.f32 v2  }
0xaf: {  	v2 =	vcvt.f32.s32 v2;
	_ =	sdelay $0x1  }
.Ltmp0:
0xb0: {  	vm0 =	vgt.s32 v2, $0x0;
	(pc) =	sbr.rel @p0 .LBB2_3-.Ltmp0, $4  }
0xb1: {  	v2 =	vnsel vm0, $0x0, v2  }
0xb2: {  	v1 =	vor.u32 v0, v1;
	v2 =	vmin.u32 v2, $0x1F  }
0xb3: {  	v1 =	vor.u32 v1, v2  }
0xb4: {  	s10 =	sadd.s32 $0x100, s10;
	s12 =	sadd.s32 $0x80, s12;
	s16 =	sadd.s32 $0x80, s16;
	[tilespmem:s2+$0x70] =	vst v1  }
0xb5: {  	[tilespmem:s15], [sflag:$0x2] =	stream.indirect.gather [hbm4b:s6+s13], $0x1, s2, s13, $0xb8;
	[tilespmem:$0x3000] =	vst v63  }
0xb6: {  	_ =	swait.ge [sflag:s14], $0x80  }
0xb7: {  	[sflag:s14] =	ssyncset.done $0x0  }
0xb8: {  	[sflag:s14] =	ssyncadd.s32 $0xFFFFFF80  }
0xb9: {  	_ =	swait.ge [sflag:s14], $0x80  }
0xba: {  	[sflag:s14] =	ssyncset.done $0x0  }
0xbb: {  	[sflag:s14] =	ssyncadd.s32 $0xFFFFFF80  }
0xbc: {  	_ =	swait.ge [sflag:s14], $0x80  }
0xbd: {  	[sflag:s14] =	ssyncset.done $0x0  }
0xbe: {  	[sflag:s14] =	ssyncadd.s32 $0xFFFFFF80  }
0xbf: {  	_ =	swait.ge [sflag:s14], $0x80  }
0xc0: {  	[sflag:s14] =	ssyncset.done $0x0  }
0xc1: {  	[sflag:s14] =	ssyncadd.s32 $0xFFFFFF80  }
0xc2: {  	_ =	swait.ge [sflag:s14], $0x80  }
0xc3: {  	[sflag:s14] =	ssyncset.done $0x0  }
0xc4: {  	[sflag:s14] =	ssyncadd.s32 $0xFFFFFF80  }
0xc5: {  	_ =	swait.ge [sflag:s14], $0x80  }
0xc6: {  	[sflag:s14] =	ssyncset.done $0x0  }
0xc7: {  	[sflag:s14] =	ssyncadd.s32 $0xFFFFFF80  }
0xc8: {  	_ =	swait.ge [sflag:s14], $0x80  }
0xc9: {  	[sflag:s14] =	ssyncset.done $0x0  }
0xca: {  	[sflag:s14] =	ssyncadd.s32 $0xFFFFFF80  }
0xcb: {  	_ =	swait.ge [sflag:s14], $0x80  }
0xcc: {  	[sflag:s14] =	ssyncset.done $0x0  }
0xcd: {  	[sflag:s14] =	ssyncadd.s32 $0xFFFFFF80  }
0xce: {  	_ =	swait.ge [sflag:s14], $0x80  }
0xcf: {  	[sflag:s14] =	ssyncset.done $0x0  }
0xd0: {  	[sflag:s14] =	ssyncadd.s32 $0xFFFFFF80  }
0xd1: {  	_ =	swait.ge [sflag:s14], $0x80  }
0xd2: {  	[sflag:s14] =	ssyncset.done $0x0  }
0xd3: {  	[sflag:s14] =	ssyncadd.s32 $0xFFFFFF80  }
0xd4: {  	_ =	swait.ge [sflag:s14], $0x80  }
0xd5: {  	[sflag:s14] =	ssyncset.done $0x0  }
0xd6: {  	[sflag:s14] =	ssyncadd.s32 $0xFFFFFF80  }
0xd7: {  	_ =	swait.ge [sflag:s14], $0x80  }
0xd8: {  	[sflag:s14] =	ssyncset.done $0x0  }
0xd9: {  	[sflag:s14] =	ssyncadd.s32 $0xFFFFFF80  }
0xda: {  	_ =	swait.ge [sflag:s14], $0x80  }
0xdb: {  	[sflag:s14] =	ssyncset.done $0x0  }
0xdc: {  	[sflag:s14] =	ssyncadd.s32 $0xFFFFFF80  }
0xdd: {  	_ =	swait.ge [sflag:s14], $0x80  }
0xde: {  	[sflag:s14] =	ssyncset.done $0x0  }
0xdf: {  	[sflag:s14] =	ssyncadd.s32 $0xFFFFFF80  }
0xe0: {  	_ =	swait.ge [sflag:s14], $0x80  }
0xe1: {  	[sflag:s14] =	ssyncset.done $0x0  }
0xe2: {  	[sflag:s14] =	ssyncadd.s32 $0xFFFFFF80  }
0xe3: {  	_ =	swait.ge [sflag:s14], $0x80  }
0xe4: {  	[sflag:s14] =	ssyncset.done $0x0  }
0xe5: {  	s2 =	simm.s32 $0x0;
	[sflag:s14] =	ssyncadd.s32 $0xFFFFFF80  }
0xe6: {  	v4 =	vld [tilespmem:s2+$0x2000]  }
0xe7: {  	v6 =	vld [tilespmem:s2+$0x2010]  }
0xe8: {  	v5 =	vld [tilespmem:s2+$0x2020]  }
0xe9: {  	v3 =	vld [tilespmem:s2+$0x2030]  }
0xea: {  	v1 =	vld [tilespmem:s2+$0x2040]  }
0xeb: {  	v2 =	vld [tilespmem:s2+$0x2050];
	v7 =	vmul.f32 $9.990000120e-01, v4  }
0xec: {  	s7 =	simm.s32 $0x400;
	v6 =	vmul.f32 $9.990000120e-01, v6;
	v4 =	vld [tilespmem:s2+$0x2060]  }
.LBB2_5:
0xed: {  	s10 =	sshra.s32 s7, $0x2;
	p0 =	sne.s32 s7, $0x3C00;
	[tilespmem:s2+$0x2000] =	vst v7;
	v5 =	vmul.f32 $9.990000120e-01, v5;
	v7 =	vld [tilespmem:s2+$0x2070]  }
0xee: {  	v8 =	vld [tilespmem:s10+$0x2000];
	[tilespmem:s2+$0x2010] =	vst v6;
	v3 =	vmul.f32 $9.990000120e-01, v3  }
0xef: {  	v6 =	vld [tilespmem:s10+$0x2010];
	[tilespmem:s2+$0x2020] =	vst v5;
	v1 =	vmul.f32 $9.990000120e-01, v1  }
.Ltmp1:
0xf0: {  	v5 =	vld [tilespmem:s10+$0x2020];
	[tilespmem:s2+$0x2030] =	vst v3;
	v2 =	vmul.f32 $9.990000120e-01, v2;
	(pc) =	sbr.rel @p0 .LBB2_5-.Ltmp1, $4  }
0xf1: {  	v3 =	vld [tilespmem:s10+$0x2030];
	[tilespmem:s2+$0x2040] =	vst v1;
	v4 =	vmul.f32 $9.990000120e-01, v4  }
0xf2: {  	v1 =	vld [tilespmem:s10+$0x2040];
	[tilespmem:s2+$0x2050] =	vst v2;
	v9 =	vmul.f32 $9.990000120e-01, v7  }
0xf3: {  	v7 =	vmul.f32 $9.990000120e-01, v8;
	v2 =	vld [tilespmem:s10+$0x2050];
	[tilespmem:s2+$0x2060] =	vst v4  }
0xf4: {  	s7 =	sadd.s32 $0x400, s7;
	v6 =	vmul.f32 $9.990000120e-01, v6;
	v4 =	vld [tilespmem:s10+$0x2060];
	[tilespmem:s2+$0x2070] =	vst v9;
	s2 =	smov.u32 s10  }
0xf5: {  	[tilespmem:s2+$0x2000] =	vst v7;
	v5 =	vmul.f32 $9.990000120e-01, v5;
	v63 =	vld [tilespmem:s2+$0x2070]  }
0xf6: {  	[tilespmem:s2+$0x2010] =	vst v6;
	v3 =	vmul.f32 $9.990000120e-01, v3  }
0xf7: {  	[tilespmem:s2+$0x2020] =	vst v5;
	v1 =	vmul.f32 $9.990000120e-01, v1  }
0xf8: {  	[tilespmem:s2+$0x2030] =	vst v3;
	v2 =	vmul.f32 $9.990000120e-01, v2  }
0xf9: {  	[tilespmem:s2+$0x2040] =	vst v1;
	v1 =	vmul.f32 $9.990000120e-01, v4  }
0xfa: {  	[tilespmem:s2+$0x2050] =	vst v2;
	v2 =	vmul.f32 $9.990000120e-01, v63  }
0xfb: {  	s0 =	sshrl.u32 s0, $0x3;
	[tilespmem:s2+$0x2060] =	vst v1  }
0xfc: {  	s15 =	simm.s32 $0x2000;
	s0 =	sadd.s32 s1, s0;
	[tilespmem:s2+$0x2070] =	vst v2  }
0xfd: {  	[hbm4b:s0+s3] =	stream.linear.scatter [tilespmem:s15], [sflag:$0x3], $0x80, $0x38;
	[tilespmem:$0x3000] =	vst v63  }
0xfe: {  	s7 =	simm.s32 $0x2100;
	s16 =	sadd.s32 $0x10, s0  }
0xff: {  	[hbm4b:s16+s3] =	stream.linear.scatter [tilespmem:s7], [sflag:$0x3], $0x80, $0x38;
	[tilespmem:$0x3000] =	vst v63  }
0x100: {  	s18 =	simm.s32 $0x2200;
	s17 =	sadd.s32 $0x20, s0  }
0x101: {  	[hbm4b:s17+s3] =	stream.linear.scatter [tilespmem:s18], [sflag:$0x3], $0x80, $0x38;
	[tilespmem:$0x3000] =	vst v63  }
0x102: {  	s20 =	simm.s32 $0x2300;
	s19 =	sadd.s32 $0x30, s0  }
0x103: {  	[hbm4b:s19+s3] =	stream.linear.scatter [tilespmem:s20], [sflag:$0x3], $0x80, $0x38;
	[tilespmem:$0x3000] =	vst v63  }
0x104: {  	s22 =	simm.s32 $0x2400;
	s21 =	sadd.s32 $0x40, s0  }
0x105: {  	[hbm4b:s21+s3] =	stream.linear.scatter [tilespmem:s22], [sflag:$0x3], $0x80, $0x38;
	[tilespmem:$0x3000] =	vst v63  }
0x106: {  	s12 =	simm.s32 $0x2500;
	s10 =	sadd.s32 $0x50, s0  }
0x107: {  	[hbm4b:s10+s3] =	stream.linear.scatter [tilespmem:s12], [sflag:$0x3], $0x80, $0x38;
	[tilespmem:$0x3000] =	vst v63  }
0x108: {  	s15 =	sadd.s32 $0x60, s0;
	s16 =	simm.s32 $0x2600  }
0x109: {  	[hbm4b:s15+s3] =	stream.linear.scatter [tilespmem:s16], [sflag:$0x3], $0x80, $0x38;
	[tilespmem:$0x3000] =	vst v63  }
0x10a: {  	s17 =	sadd.s32 $0x70, s0;
	s18 =	simm.s32 $0x2700  }
0x10b: {  	[hbm4b:s17+s3] =	stream.linear.scatter [tilespmem:s18], [sflag:$0x3], $0x80, $0x38;
	[tilespmem:$0x3000] =	vst v63  }
0x10c: {  	s19 =	sadd.s32 $0x80, s0;
	s20 =	simm.s32 $0x2800  }
0x10d: {  	[hbm4b:s19+s3] =	stream.linear.scatter [tilespmem:s20], [sflag:$0x3], $0x80, $0x38;
	[tilespmem:$0x3000] =	vst v63  }
0x10e: {  	s21 =	sadd.s32 $0x90, s0;
	s22 =	simm.s32 $0x2900  }
0x10f: {  	[hbm4b:s21+s3] =	stream.linear.scatter [tilespmem:s22], [sflag:$0x3], $0x80, $0x38;
	[tilespmem:$0x3000] =	vst v63  }
0x110: {  	s10 =	sadd.s32 $0xA0, s0;
	s12 =	simm.s32 $0x2A00  }
0x111: {  	[hbm4b:s10+s3] =	stream.linear.scatter [tilespmem:s12], [sflag:$0x3], $0x80, $0x38;
	[tilespmem:$0x3000] =	vst v63  }
0x112: {  	s15 =	sadd.s32 $0xB0, s0;
	s16 =	simm.s32 $0x2B00  }
0x113: {  	[hbm4b:s15+s3] =	stream.linear.scatter [tilespmem:s16], [sflag:$0x3], $0x80, $0x38;
	[tilespmem:$0x3000] =	vst v63  }
0x114: {  	s17 =	sadd.s32 $0xC0, s0;
	s18 =	simm.s32 $0x2C00  }
0x115: {  	[hbm4b:s17+s3] =	stream.linear.scatter [tilespmem:s18], [sflag:$0x3], $0x80, $0x38;
	[tilespmem:$0x3000] =	vst v63  }
0x116: {  	s19 =	sadd.s32 $0xD0, s0;
	s20 =	simm.s32 $0x2D00  }
0x117: {  	[hbm4b:s19+s3] =	stream.linear.scatter [tilespmem:s20], [sflag:$0x3], $0x80, $0x38;
	[tilespmem:$0x3000] =	vst v63  }
0x118: {  	s21 =	sadd.s32 $0xE0, s0;
	s22 =	simm.s32 $0x2E00  }
0x119: {  	[hbm4b:s21+s3] =	stream.linear.scatter [tilespmem:s22], [sflag:$0x3], $0x80, $0x38;
	[tilespmem:$0x3000] =	vst v63  }
0x11a: {  	p0 =	seq.s32 s29, $0x7;
	s0 =	sadd.s32 $0xF0, s0;
	s10 =	simm.s32 $0x2F00  }
0x11b: {  	[hbm4b:s0+s3] =	stream.linear.scatter [tilespmem:s10], [sflag:$0x3], $0x80, $0x38;
	[tilespmem:$0x3000] =	vst v63  }
0x11c: {  	s0 =	sadd.s32 @!p0 s31, s9;
	_ =	swait.ge [sflag:s11], $0x800  }
0x11d: {  	p1 =	seq.s32 @!p0 s29, $0x0;
	s0 =	sshrl.u32 @!p0 s0, $0x3;
	[sflag:s11] =	ssyncset.done $0x0  }
0x11e: {  	s2 =	simm.s32 @!p0 $0x0;
	s0 =	sadd.s32 @!p0 s4, s0;
	[sflag:s11] =	ssyncadd.s32 $0xFFFFF800  }
0x11f: {  	[tilespmem:s2], [sflag:$0x1] =	stream.linear.gather @!p0 [hbm4b:s0+s2], $0x800, $0x38;
	[tilespmem:$0x3000] =	vst v63  }
0x120: {  	p0 =	por p0, !p1  }
0x121: {  	_ =	swait.ge @p0 [sflag:s26], $0x800  }
0x122: {  	[sflag:s26] =	ssyncset.done @p0 $0x0  }
0x123: {  	s12 =	simm.s32 $0x870;
	[sflag:s26] =	ssyncadd.s32 @p0 $0xFFFFF800  }
0x124: {  	v1 =	vld [tilespmem:s12+$0xFFFFFF90];
	_ =	sdelay $0x4  }
0x125: {  	v1 =	vmul.f32 $3.200000000e+01, v1;
	_ =	sdelay $0x1  }
0x126: {  	v1 =	vtrunc.f32 v1  }
0x127: {  	s15 =	sadd.s32 $0x0, s5;
	v1 =	vcvt.f32.s32 v1  }
0x128: {  	s16 =	sadd.s32 $0x800, s15  }
0x129: {  	v2 =	vmov s16;
	vm0 =	vgt.s32 v1, $0x0  }
0x12a: {  	v2 =	vshll.u32 v2, $0x5;
	v1 =	vnsel vm0, $0x0, v1  }
0x12b: {  	v2 =	vor.u32 v0, v2;
	v1 =	vmin.u32 v1, $0x1F  }
0x12c: {  	s0 =	simm.s32 $0x1800;
	v1 =	vor.u32 v2, v1  }
0x12d: {  	[tilespmem:s0+$0x0] =	vst v1  }
0x12e: {  	v1 =	vld [tilespmem:s12+$0xFFFFFFA0];
	_ =	sdelay $0x4  }
0x12f: {  	v1 =	vmul.f32 $3.200000000e+01, v1;
	_ =	sdelay $0x1  }
0x130: {  	v1 =	vtrunc.f32 v1  }
0x131: {  	v1 =	vcvt.f32.s32 v1  }
0x132: {  	s10 =	sadd.s32 $0x810, s15  }
0x133: {  	v2 =	vmov s10;
	vm9 =	vgt.s32 v1, $0x0  }
0x134: {  	v2 =	vshll.u32 v2, $0x5;
	v1 =	vnsel vm9, $0x0, v1  }
0x135: {  	v2 =	vadd.s32 v0, v2;
	v1 =	vmin.u32 v1, $0x1F  }
0x136: {  	v1 =	vor.u32 v2, v1  }
0x137: {  	[tilespmem:s0+$0x10] =	vst v1  }
0x138: {  	v1 =	vld [tilespmem:s12+$0xFFFFFFB0];
	_ =	sdelay $0x4  }
0x139: {  	v1 =	vmul.f32 $3.200000000e+01, v1;
	_ =	sdelay $0x1  }
0x13a: {  	v1 =	vtrunc.f32 v1  }
0x13b: {  	v1 =	vcvt.f32.s32 v1  }
0x13c: {  	s17 =	sadd.s32 $0x820, s15  }
0x13d: {  	v2 =	vmov s17;
	vm10 =	vgt.s32 v1, $0x0  }
0x13e: {  	v2 =	vshll.u32 v2, $0x5;
	v1 =	vnsel vm10, $0x0, v1  }
0x13f: {  	v2 =	vadd.s32 v0, v2;
	v1 =	vmin.u32 v1, $0x1F  }
0x140: {  	v1 =	vor.u32 v2, v1  }
0x141: {  	[tilespmem:s0+$0x20] =	vst v1  }
0x142: {  	v1 =	vld [tilespmem:s12+$0xFFFFFFC0];
	_ =	sdelay $0x4  }
0x143: {  	v1 =	vmul.f32 $3.200000000e+01, v1;
	_ =	sdelay $0x1  }
0x144: {  	v1 =	vtrunc.f32 v1  }
0x145: {  	v1 =	vcvt.f32.s32 v1  }
0x146: {  	s18 =	sadd.s32 $0x830, s15  }
0x147: {  	v2 =	vmov s18;
	vm11 =	vgt.s32 v1, $0x0  }
0x148: {  	v2 =	vshll.u32 v2, $0x5;
	v1 =	vnsel vm11, $0x0, v1  }
0x149: {  	v2 =	vadd.s32 v0, v2;
	v1 =	vmin.u32 v1, $0x1F  }
0x14a: {  	v1 =	vor.u32 v2, v1  }
0x14b: {  	[tilespmem:s0+$0x30] =	vst v1  }
0x14c: {  	v1 =	vld [tilespmem:s12+$0xFFFFFFD0];
	_ =	sdelay $0x4  }
0x14d: {  	v1 =	vmul.f32 $3.200000000e+01, v1;
	_ =	sdelay $0x1  }
0x14e: {  	v1 =	vtrunc.f32 v1  }
0x14f: {  	v1 =	vcvt.f32.s32 v1  }
0x150: {  	s19 =	sadd.s32 $0x840, s15  }
0x151: {  	v2 =	vmov s19;
	vm12 =	vgt.s32 v1, $0x0  }
0x152: {  	v2 =	vshll.u32 v2, $0x5;
	v1 =	vnsel vm12, $0x0, v1  }
0x153: {  	v2 =	vadd.s32 v0, v2;
	v1 =	vmin.u32 v1, $0x1F  }
0x154: {  	v1 =	vor.u32 v2, v1  }
0x155: {  	[tilespmem:s0+$0x40] =	vst v1  }
0x156: {  	v1 =	vld [tilespmem:s12+$0xFFFFFFE0];
	_ =	sdelay $0x4  }
0x157: {  	v1 =	vmul.f32 $3.200000000e+01, v1;
	_ =	sdelay $0x1  }
0x158: {  	v1 =	vtrunc.f32 v1  }
0x159: {  	v1 =	vcvt.f32.s32 v1  }
0x15a: {  	s20 =	sadd.s32 $0x850, s15  }
0x15b: {  	v2 =	vmov s20;
	vm13 =	vgt.s32 v1, $0x0  }
0x15c: {  	v2 =	vshll.u32 v2, $0x5;
	v1 =	vnsel vm13, $0x0, v1  }
0x15d: {  	v2 =	vadd.s32 v0, v2;
	v1 =	vmin.u32 v1, $0x1F  }
0x15e: {  	v1 =	vor.u32 v2, v1  }
0x15f: {  	[tilespmem:s0+$0x50] =	vst v1  }
0x160: {  	v1 =	vld [tilespmem:s12+$0xFFFFFFF0];
	_ =	sdelay $0x4  }
0x161: {  	v1 =	vmul.f32 $3.200000000e+01, v1;
	_ =	sdelay $0x1  }
0x162: {  	v1 =	vtrunc.f32 v1  }
0x163: {  	v1 =	vcvt.f32.s32 v1  }
0x164: {  	s21 =	sadd.s32 $0x860, s15  }
0x165: {  	v2 =	vmov s21;
	vm14 =	vgt.s32 v1, $0x0  }
0x166: {  	v2 =	vshll.u32 v2, $0x5;
	v1 =	vnsel vm14, $0x0, v1  }
0x167: {  	v2 =	vadd.s32 v0, v2;
	v1 =	vmin.u32 v1, $0x1F  }
0x168: {  	v1 =	vor.u32 v2, v1  }
0x169: {  	[tilespmem:s0+$0x60] =	vst v1  }
0x16a: {  	v1 =	vld [tilespmem:s12+$0x0];
	_ =	sdelay $0x4  }
0x16b: {  	v1 =	vmul.f32 $3.200000000e+01, v1;
	_ =	sdelay $0x1  }
0x16c: {  	v1 =	vtrunc.f32 v1  }
0x16d: {  	v1 =	vcvt.f32.s32 v1  }
0x16e: {  	s22 =	sadd.s32 $0x870, s15  }
0x16f: {  	v2 =	vmov s22;
	vm15 =	vgt.s32 v1, $0x0  }
0x170: {  	v2 =	vshll.u32 v2, $0x5;
	v1 =	vnsel vm15, $0x0, v1  }
0x171: {  	v2 =	vadd.s32 v0, v2;
	v1 =	vmin.u32 v1, $0x1F  }
0x172: {  	s7 =	simm.s32 $0x2180;
	s31 =	simm.s32 $0x2080;
	v1 =	vor.u32 v2, v1  }
0x173: {  	s2 =	simm.s32 $0x80;
	s10 =	simm.s32 $0x1880;
	s12 =	simm.s32 $0x8F0;
	[tilespmem:s0+$0x70] =	vst v1  }
.LBB2_7:
0x174: {  	[tilespmem:s31], [sflag:$0x2] =	stream.indirect.gather [hbm4b:s6+s13], $0x1, s0, s13, $0xb8;
	[tilespmem:$0x3000] =	vst v63  }
0x175: {  	p0 =	sne.s32 s2, $0x780;
	s15 =	smov.u32 s2;
	s2 =	sadd.s32 $0x80, s2;
	v1 =	vld [tilespmem:s12+$0xFFFFFF90]  }
0x176: {  	s31 =	smov.u32 s7;
	s0 =	smov.u32 s10;
	_ =	sdelay $0x3  }
0x177: {  	v1 =	vmul.f32 $3.200000000e+01, v1;
	_ =	sdelay $0x1  }
0x178: {  	v1 =	vtrunc.f32 v1  }
0x179: {  	s15 =	sadd.s32 s15, s5;
	v1 =	vcvt.f32.s32 v1  }
0x17a: {  	s16 =	sadd.s32 $0x800, s15;
	s17 =	sadd.s32 $0x810, s15;
	s18 =	sadd.s32 $0x820, s15  }
0x17b: {  	s19 =	sadd.s32 $0x850, s15;
	v2 =	vmov s16;
	v3 =	vmov s17;
	s16 =	sadd.s32 $0x830, s15;
	s17 =	sadd.s32 $0x840, s15;
	vm0 =	vgt.s32 v1, $0x0  }
0x17c: {  	s20 =	sadd.s32 $0x860, s15;
	s15 =	sadd.s32 $0x870, s15;
	v2 =	vshll.u32 v2, $0x5;
	v3 =	vshll.u32 v3, $0x5;
	v1 =	vnsel vm0, $0x0, v1  }
0x17d: {  	v4 =	vmov s18;
	v2 =	vor.u32 v0, v2;
	v1 =	vmin.u32 v1, $0x1F  }
0x17e: {  	v4 =	vshll.u32 v4, $0x5;
	v1 =	vor.u32 v2, v1;
	v2 =	vmov s16  }
0x17f: {  	[tilespmem:s10+$0x0] =	vst v1;
	v5 =	vshll.u32 v2, $0x5;
	v1 =	vmov s17;
	v2 =	vmov s19  }
0x180: {  	v6 =	vld [tilespmem:s12+$0xFFFFFFA0];
	v7 =	vshll.u32 v1, $0x5;
	v8 =	vshll.u32 v2, $0x5;
	v1 =	vmov s20  }
0x181: {  	v2 =	vshll.u32 v1, $0x5;
	v1 =	vmov s15  }
0x182: {  	v1 =	vshll.u32 v1, $0x5;
	_ =	sdelay $0x2  }
0x183: {  	v6 =	vmul.f32 $3.200000000e+01, v6;
	_ =	sdelay $0x1  }
0x184: {  	v6 =	vtrunc.f32 v6  }
0x185: {  	v6 =	vcvt.f32.s32 v6;
	_ =	sdelay $0x1  }
0x186: {  	vm0 =	vgt.s32 v6, $0x0  }
0x187: {  	v6 =	vnsel vm0, $0x0, v6  }
0x188: {  	v3 =	vadd.s32 v0, v3;
	v6 =	vmin.u32 v6, $0x1F  }
0x189: {  	v3 =	vor.u32 v3, v6  }
0x18a: {  	[tilespmem:s10+$0x10] =	vst v3  }
0x18b: {  	v3 =	vld [tilespmem:s12+$0xFFFFFFB0];
	_ =	sdelay $0x4  }
0x18c: {  	v3 =	vmul.f32 $3.200000000e+01, v3;
	_ =	sdelay $0x1  }
0x18d: {  	v3 =	vtrunc.f32 v3  }
0x18e: {  	v3 =	vcvt.f32.s32 v3;
	_ =	sdelay $0x1  }
0x18f: {  	vm0 =	vgt.s32 v3, $0x0  }
0x190: {  	v3 =	vnsel vm0, $0x0, v3  }
0x191: {  	v4 =	vadd.s32 v0, v4;
	v3 =	vmin.u32 v3, $0x1F  }
0x192: {  	v3 =	vor.u32 v4, v3  }
0x193: {  	[tilespmem:s10+$0x20] =	vst v3  }
0x194: {  	v3 =	vld [tilespmem:s12+$0xFFFFFFC0];
	_ =	sdelay $0x4  }
0x195: {  	v3 =	vmul.f32 $3.200000000e+01, v3;
	_ =	sdelay $0x1  }
0x196: {  	v3 =	vtrunc.f32 v3  }
0x197: {  	v3 =	vcvt.f32.s32 v3;
	_ =	sdelay $0x1  }
0x198: {  	vm0 =	vgt.s32 v3, $0x0  }
0x199: {  	v3 =	vnsel vm0, $0x0, v3  }
0x19a: {  	v4 =	vadd.s32 v0, v5;
	v3 =	vmin.u32 v3, $0x1F  }
0x19b: {  	v3 =	vor.u32 v4, v3  }
0x19c: {  	[tilespmem:s10+$0x30] =	vst v3  }
0x19d: {  	v3 =	vld [tilespmem:s12+$0xFFFFFFD0];
	_ =	sdelay $0x4  }
0x19e: {  	v3 =	vmul.f32 $3.200000000e+01, v3;
	_ =	sdelay $0x1  }
0x19f: {  	v3 =	vtrunc.f32 v3  }
0x1a0: {  	v3 =	vcvt.f32.s32 v3;
	_ =	sdelay $0x1  }
0x1a1: {  	vm0 =	vgt.s32 v3, $0x0  }
0x1a2: {  	v3 =	vnsel vm0, $0x0, v3  }
0x1a3: {  	v4 =	vadd.s32 v0, v7;
	v3 =	vmin.u32 v3, $0x1F  }
0x1a4: {  	v3 =	vor.u32 v4, v3  }
0x1a5: {  	[tilespmem:s10+$0x40] =	vst v3  }
0x1a6: {  	v3 =	vld [tilespmem:s12+$0xFFFFFFE0];
	_ =	sdelay $0x4  }
0x1a7: {  	v3 =	vmul.f32 $3.200000000e+01, v3;
	_ =	sdelay $0x1  }
0x1a8: {  	v3 =	vtrunc.f32 v3  }
0x1a9: {  	v3 =	vcvt.f32.s32 v3;
	_ =	sdelay $0x1  }
0x1aa: {  	vm0 =	vgt.s32 v3, $0x0  }
0x1ab: {  	v3 =	vnsel vm0, $0x0, v3  }
0x1ac: {  	v4 =	vadd.s32 v0, v8;
	v3 =	vmin.u32 v3, $0x1F  }
0x1ad: {  	v3 =	vor.u32 v4, v3  }
0x1ae: {  	[tilespmem:s10+$0x50] =	vst v3  }
0x1af: {  	v3 =	vld [tilespmem:s12+$0xFFFFFFF0];
	_ =	sdelay $0x4  }
0x1b0: {  	v3 =	vmul.f32 $3.200000000e+01, v3;
	_ =	sdelay $0x1  }
0x1b1: {  	v3 =	vtrunc.f32 v3  }
0x1b2: {  	v3 =	vcvt.f32.s32 v3;
	_ =	sdelay $0x1  }
0x1b3: {  	vm0 =	vgt.s32 v3, $0x0  }
0x1b4: {  	v3 =	vnsel vm0, $0x0, v3  }
0x1b5: {  	v2 =	vadd.s32 v0, v2;
	v3 =	vmin.u32 v3, $0x1F  }
0x1b6: {  	v2 =	vor.u32 v2, v3  }
0x1b7: {  	[tilespmem:s10+$0x60] =	vst v2  }
0x1b8: {  	v2 =	vld [tilespmem:s12+$0x0];
	_ =	sdelay $0x4  }
0x1b9: {  	v2 =	vmul.f32 $3.200000000e+01, v2;
	_ =	sdelay $0x1  }
0x1ba: {  	v2 =	vtrunc.f32 v2  }
0x1bb: {  	v2 =	vcvt.f32.s32 v2;
	_ =	sdelay $0x1  }
.Ltmp2:
0x1bc: {  	vm0 =	vgt.s32 v2, $0x0;
	(pc) =	sbr.rel @p0 .LBB2_7-.Ltmp2, $4  }
0x1bd: {  	v2 =	vnsel vm0, $0x0, v2  }
0x1be: {  	v1 =	vadd.s32 v0, v1;
	v2 =	vmin.u32 v2, $0x1F  }
0x1bf: {  	v1 =	vor.u32 v1, v2  }
0x1c0: {  	s7 =	sadd.s32 $0x100, s7;
	s10 =	sadd.s32 $0x80, s10;
	s12 =	sadd.s32 $0x80, s12;
	[tilespmem:s0+$0x70] =	vst v1  }
0x1c1: {  	[tilespmem:s31], [sflag:$0x2] =	stream.indirect.gather [hbm4b:s6+s13], $0x1, s0, s13, $0xb8;
	[tilespmem:$0x3000] =	vst v63  }
0x1c2: {  	_ =	swait.ge [sflag:s14], $0x80  }
0x1c3: {  	[sflag:s14] =	ssyncset.done $0x0  }
0x1c4: {  	[sflag:s14] =	ssyncadd.s32 $0xFFFFFF80  }
0x1c5: {  	_ =	swait.ge [sflag:s14], $0x80  }
0x1c6: {  	[sflag:s14] =	ssyncset.done $0x0  }
0x1c7: {  	[sflag:s14] =	ssyncadd.s32 $0xFFFFFF80  }
0x1c8: {  	_ =	swait.ge [sflag:s14], $0x80  }
0x1c9: {  	[sflag:s14] =	ssyncset.done $0x0  }
0x1ca: {  	[sflag:s14] =	ssyncadd.s32 $0xFFFFFF80  }
0x1cb: {  	_ =	swait.ge [sflag:s14], $0x80  }
0x1cc: {  	[sflag:s14] =	ssyncset.done $0x0  }
0x1cd: {  	[sflag:s14] =	ssyncadd.s32 $0xFFFFFF80  }
0x1ce: {  	_ =	swait.ge [sflag:s14], $0x80  }
0x1cf: {  	[sflag:s14] =	ssyncset.done $0x0  }
0x1d0: {  	[sflag:s14] =	ssyncadd.s32 $0xFFFFFF80  }
0x1d1: {  	_ =	swait.ge [sflag:s14], $0x80  }
0x1d2: {  	[sflag:s14] =	ssyncset.done $0x0  }
0x1d3: {  	[sflag:s14] =	ssyncadd.s32 $0xFFFFFF80  }
0x1d4: {  	_ =	swait.ge [sflag:s14], $0x80  }
0x1d5: {  	[sflag:s14] =	ssyncset.done $0x0  }
0x1d6: {  	[sflag:s14] =	ssyncadd.s32 $0xFFFFFF80  }
0x1d7: {  	_ =	swait.ge [sflag:s14], $0x80  }
0x1d8: {  	[sflag:s14] =	ssyncset.done $0x0  }
0x1d9: {  	[sflag:s14] =	ssyncadd.s32 $0xFFFFFF80  }
0x1da: {  	_ =	swait.ge [sflag:s14], $0x80  }
0x1db: {  	[sflag:s14] =	ssyncset.done $0x0  }
0x1dc: {  	[sflag:s14] =	ssyncadd.s32 $0xFFFFFF80  }
0x1dd: {  	_ =	swait.ge [sflag:s14], $0x80  }
0x1de: {  	[sflag:s14] =	ssyncset.done $0x0  }
0x1df: {  	[sflag:s14] =	ssyncadd.s32 $0xFFFFFF80  }
0x1e0: {  	_ =	swait.ge [sflag:s14], $0x80  }
0x1e1: {  	[sflag:s14] =	ssyncset.done $0x0  }
0x1e2: {  	[sflag:s14] =	ssyncadd.s32 $0xFFFFFF80  }
0x1e3: {  	_ =	swait.ge [sflag:s14], $0x80  }
0x1e4: {  	[sflag:s14] =	ssyncset.done $0x0  }
0x1e5: {  	[sflag:s14] =	ssyncadd.s32 $0xFFFFFF80  }
0x1e6: {  	_ =	swait.ge [sflag:s14], $0x80  }
0x1e7: {  	[sflag:s14] =	ssyncset.done $0x0  }
0x1e8: {  	[sflag:s14] =	ssyncadd.s32 $0xFFFFFF80  }
0x1e9: {  	_ =	swait.ge [sflag:s14], $0x80  }
0x1ea: {  	[sflag:s14] =	ssyncset.done $0x0  }
0x1eb: {  	[sflag:s14] =	ssyncadd.s32 $0xFFFFFF80  }
0x1ec: {  	_ =	swait.ge [sflag:s14], $0x80  }
0x1ed: {  	[sflag:s14] =	ssyncset.done $0x0  }
0x1ee: {  	[sflag:s14] =	ssyncadd.s32 $0xFFFFFF80  }
0x1ef: {  	_ =	swait.ge [sflag:s14], $0x80  }
0x1f0: {  	[sflag:s14] =	ssyncset.done $0x0  }
0x1f1: {  	s0 =	simm.s32 $0x0;
	[sflag:s14] =	ssyncadd.s32 $0xFFFFFF80  }
0x1f2: {  	v4 =	vld [tilespmem:s0+$0x2080]  }
0x1f3: {  	v6 =	vld [tilespmem:s0+$0x2090]  }
0x1f4: {  	v5 =	vld [tilespmem:s0+$0x20A0]  }
0x1f5: {  	v3 =	vld [tilespmem:s0+$0x20B0]  }
0x1f6: {  	v1 =	vld [tilespmem:s0+$0x20C0]  }
0x1f7: {  	v2 =	vld [tilespmem:s0+$0x20D0];
	v7 =	vmul.f32 $9.990000120e-01, v4  }
0x1f8: {  	s2 =	simm.s32 $0x400;
	v6 =	vmul.f32 $9.990000120e-01, v6;
	v4 =	vld [tilespmem:s0+$0x20E0]  }
.LBB2_9:
0x1f9: {  	s7 =	sshra.s32 s2, $0x2;
	p0 =	sne.s32 s2, $0x3C00;
	[tilespmem:s0+$0x2080] =	vst v7;
	v5 =	vmul.f32 $9.990000120e-01, v5;
	v7 =	vld [tilespmem:s0+$0x20F0]  }
0x1fa: {  	v8 =	vld [tilespmem:s7+$0x2080];
	[tilespmem:s0+$0x2090] =	vst v6;
	v3 =	vmul.f32 $9.990000120e-01, v3  }
0x1fb: {  	v6 =	vld [tilespmem:s7+$0x2090];
	[tilespmem:s0+$0x20A0] =	vst v5;
	v1 =	vmul.f32 $9.990000120e-01, v1  }
.Ltmp3:
0x1fc: {  	v5 =	vld [tilespmem:s7+$0x20A0];
	[tilespmem:s0+$0x20B0] =	vst v3;
	v2 =	vmul.f32 $9.990000120e-01, v2;
	(pc) =	sbr.rel @p0 .LBB2_9-.Ltmp3, $4  }
0x1fd: {  	v3 =	vld [tilespmem:s7+$0x20B0];
	[tilespmem:s0+$0x20C0] =	vst v1;
	v4 =	vmul.f32 $9.990000120e-01, v4  }
0x1fe: {  	v1 =	vld [tilespmem:s7+$0x20C0];
	[tilespmem:s0+$0x20D0] =	vst v2;
	v9 =	vmul.f32 $9.990000120e-01, v7  }
0x1ff: {  	v7 =	vmul.f32 $9.990000120e-01, v8;
	v2 =	vld [tilespmem:s7+$0x20D0];
	[tilespmem:s0+$0x20E0] =	vst v4  }
0x200: {  	s2 =	sadd.s32 $0x400, s2;
	v6 =	vmul.f32 $9.990000120e-01, v6;
	v4 =	vld [tilespmem:s7+$0x20E0];
	[tilespmem:s0+$0x20F0] =	vst v9;
	s0 =	smov.u32 s7  }
0x201: {  	[tilespmem:s0+$0x2080] =	vst v7;
	v5 =	vmul.f32 $9.990000120e-01, v5;
	v63 =	vld [tilespmem:s0+$0x20F0]  }
0x202: {  	[tilespmem:s0+$0x2090] =	vst v6;
	v3 =	vmul.f32 $9.990000120e-01, v3  }
0x203: {  	[tilespmem:s0+$0x20A0] =	vst v5;
	v1 =	vmul.f32 $9.990000120e-01, v1  }
0x204: {  	[tilespmem:s0+$0x20B0] =	vst v3;
	v2 =	vmul.f32 $9.990000120e-01, v2  }
0x205: {  	[tilespmem:s0+$0x20C0] =	vst v1;
	v1 =	vmul.f32 $9.990000120e-01, v4  }
0x206: {  	[tilespmem:s0+$0x20D0] =	vst v2;
	v2 =	vmul.f32 $9.990000120e-01, v63  }
0x207: {  	[tilespmem:s0+$0x20E0] =	vst v1  }
0x208: {  	s2 =	simm.s32 $0x2080;
	[tilespmem:s0+$0x20F0] =	vst v2;
	s0 =	sadd.s32 s1, s30  }
0x209: {  	[hbm4b:s0+s3] =	stream.linear.scatter [tilespmem:s2], [sflag:$0x3], $0x80, $0x38;
	[tilespmem:$0x3000] =	vst v63  }
0x20a: {  	s7 =	simm.s32 $0x2180;
	s31 =	sadd.s32 $0x10, s0  }
0x20b: {  	[hbm4b:s31+s3] =	stream.linear.scatter [tilespmem:s7], [sflag:$0x3], $0x80, $0x38;
	[tilespmem:$0x3000] =	vst v63  }
0x20c: {  	s12 =	simm.s32 $0x2280;
	s10 =	sadd.s32 $0x20, s0  }
0x20d: {  	[hbm4b:s10+s3] =	stream.linear.scatter [tilespmem:s12], [sflag:$0x3], $0x80, $0x38;
	[tilespmem:$0x3000] =	vst v63  }
0x20e: {  	s16 =	simm.s32 $0x2380;
	s15 =	sadd.s32 $0x30, s0  }
0x20f: {  	[hbm4b:s15+s3] =	stream.linear.scatter [tilespmem:s16], [sflag:$0x3], $0x80, $0x38;
	[tilespmem:$0x3000] =	vst v63  }
0x210: {  	s18 =	simm.s32 $0x2480;
	s17 =	sadd.s32 $0x40, s0  }
0x211: {  	[hbm4b:s17+s3] =	stream.linear.scatter [tilespmem:s18], [sflag:$0x3], $0x80, $0x38;
	[tilespmem:$0x3000] =	vst v63  }
0x212: {  	s20 =	simm.s32 $0x2580;
	s19 =	sadd.s32 $0x50, s0  }
0x213: {  	[hbm4b:s19+s3] =	stream.linear.scatter [tilespmem:s20], [sflag:$0x3], $0x80, $0x38;
	[tilespmem:$0x3000] =	vst v63  }
0x214: {  	s22 =	simm.s32 $0x2680;
	s21 =	sadd.s32 $0x60, s0  }
0x215: {  	[hbm4b:s21+s3] =	stream.linear.scatter [tilespmem:s22], [sflag:$0x3], $0x80, $0x38;
	[tilespmem:$0x3000] =	vst v63  }
0x216: {  	s30 =	sadd.s32 $0x70, s0;
	s31 =	simm.s32 $0x2780  }
0x217: {  	[hbm4b:s30+s3] =	stream.linear.scatter [tilespmem:s31], [sflag:$0x3], $0x80, $0x38;
	[tilespmem:$0x3000] =	vst v63  }
0x218: {  	s10 =	sadd.s32 $0x80, s0;
	s12 =	simm.s32 $0x2880  }
0x219: {  	[hbm4b:s10+s3] =	stream.linear.scatter [tilespmem:s12], [sflag:$0x3], $0x80, $0x38;
	[tilespmem:$0x3000] =	vst v63  }
0x21a: {  	s15 =	sadd.s32 $0x90, s0;
	s16 =	simm.s32 $0x2980  }
0x21b: {  	[hbm4b:s15+s3] =	stream.linear.scatter [tilespmem:s16], [sflag:$0x3], $0x80, $0x38;
	[tilespmem:$0x3000] =	vst v63  }
0x21c: {  	s17 =	sadd.s32 $0xA0, s0;
	s18 =	simm.s32 $0x2A80  }
0x21d: {  	[hbm4b:s17+s3] =	stream.linear.scatter [tilespmem:s18], [sflag:$0x3], $0x80, $0x38;
	[tilespmem:$0x3000] =	vst v63  }
0x21e: {  	s19 =	sadd.s32 $0xB0, s0;
	s20 =	simm.s32 $0x2B80  }
0x21f: {  	[hbm4b:s19+s3] =	stream.linear.scatter [tilespmem:s20], [sflag:$0x3], $0x80, $0x38;
	[tilespmem:$0x3000] =	vst v63  }
0x220: {  	s29 =	sadd.s32 $0x1, s29;
	s21 =	sadd.s32 $0xC0, s0;
	s22 =	simm.s32 $0x2C80  }
0x221: {  	[hbm4b:s21+s3] =	stream.linear.scatter [tilespmem:s22], [sflag:$0x3], $0x80, $0x38;
	[tilespmem:$0x3000] =	vst v63  }
0x222: {  	p0 =	sne.s32 s29, $0x8;
	s30 =	sadd.s32 $0xD0, s0  }
0x223: {  	[hbm4b:s30+s3] =	stream.linear.scatter [tilespmem:s23], [sflag:$0x3], $0x80, $0x38;
	[tilespmem:$0x3000] =	vst v63  }
.Ltmp4:
0x224: {  	_ = 	snop;
	(pc) =	sbr.rel @p0 .LBB2_2-.Ltmp4, $4  }
0x225: {  	s31 =	sadd.s32 $0xE0, s0  }
0x226: {  	[hbm4b:s31+s3] =	stream.linear.scatter [tilespmem:s24], [sflag:$0x3], $0x80, $0x38;
	[tilespmem:$0x3000] =	vst v63  }
0x227: {  	s5 =	sadd.s32 $0x1000, s5;
	s0 =	sadd.s32 $0xF0, s0  }
0x228: {  	[hbm4b:s0+s3] =	stream.linear.scatter [tilespmem:s25], [sflag:$0x3], $0x80, $0x38;
	[tilespmem:$0x3000] =	vst v63  }
0x229: {  	_ =	swait.ge [sflag:s26], $0x800  }
0x22a: {  	[sflag:s26] =	ssyncset.done $0x0  }
0x22b: {  	[sflag:s26] =	ssyncadd.s32 $0xFFFFF800  }
0x22c: {  	_ =	swait.ge [sflag:s26], $0x800  }
0x22d: {  	s2 =	rddreg [dreg:$0x5]  }
0x22e: {  	s0 =	rddreg [dreg:$0x4];
	s2 =	sadd.s32 $0x1, s2  }
0x22f: {  	p0 =	sne.s32 s2, s0  }
.Ltmp5:
0x230: {  	_ = 	snop;
	(pc) =	sbr.rel @p0 .LBB2_1-.Ltmp5, $3  }
0x231: {  	_ =	sdelay $0x1  }
0x232: {  	[sflag:s26] =	ssyncset.done $0x0  }
0x233: {  	[sflag:s26] =	ssyncadd.s32 $0xFFFFF800  }
0x234: {  	_ =	sfence.sel $0x180000  }
0x235: {  	[bflag:$0x0] =	sbarrier.arrive $0xFFFF  }
0x236: {  	_ =	strace $0x90000047  }
0x237: {  	s0 =	stileid.u32;
	[bflag:$0x2] =	sbarrier.arrive $0xFFFF  }
0x238: {  	p0 =	sne.s32 s0, $0x0;
	s0 =	rddreg [dreg:$0x2]  }
0x239: {  	s0 =	sadd.s32 @!p0 $0x100000, s0  }
0x23a: {  	[sflag:s0] =	ssyncadd.tile.s32 @!p0 $0x1;
	_ =	shalt  }
.Lfunc_end2:
_tile_overlayer_lowered:
.L_overlay_start_2:
0x23b: {  	(tag) =	ssettag $0x2  }
0x23c: {  	s0 =	rddreg [dreg:$0x0];
	s2 =	stileid.u32  }
0x23d: {  	s1 =	rddreg [dreg:$0x1];
	p0 =	sne.s32 s2, $0x0  }
0x23e: {  	s3 =	rddreg [dreg:$0x2];
	[bflag:$0x3] =	sbarrier.arrive $0xFFFF;
	s2 =	simm.s32 @!p0 $0x1C04  }
0x23f: {  	[timem:s3], [sflag:s2] =	dma.local @!p0 [hbm:s0], s1  }
0x240: {  	s0 =	simm.s32 @!p0 $0x4  }
0x241: {  	_ =	swait.ge @!p0 [sflag:s0], s1  }
0x242: {  	s1 =	ssub.s32 @!p0 $0x0, s1;
	[sflag:s0] =	ssyncset.done @!p0 $0x0  }
0x243: {  	[sflag:s0] =	ssyncadd.s32 @!p0 s1  }
0x244: {  	[bflag:$0x3] =	sbarrier.arrive $0xFFFF  }
0x245: {  	_ =	shalt  }

</sc_bundles>
